<compile_context>
chip_gen: v7x
topology: tpu7x:2x2x1
jax: 0.10.2.dev20260603
libtpu: 0.0.44.dev20260713+nightly
codegen_flags: <defaults>
</compile_context>

<pallas_src>
import functools

import jax
import jax.numpy as jnp
from jax import lax
from jax.experimental import pallas as pl
from jax.experimental.pallas import tpu as pltpu
from jax.experimental.pallas import tpu_sc as plsc

NC = 2
NS = 16
NW = NC * NS
CHUNK = 128
RING = 2


def _pre_body(x_ref, ws_ref, wt_ref, bs_ref, bv_ref, s_ref, y_ref):
  xb = x_ref[...]
  s_ref[...] = jnp.dot(xb, ws_ref[...], preferred_element_type=jnp.float32) + bs_ref[...]
  y_ref[...] = jnp.dot(xb, wt_ref[...], preferred_element_type=jnp.float32) + bv_ref[...]


def _pre(x, W_S, W_T, b_S, b_vec, block_rows):
  n, d = x.shape
  grid = (n // block_rows,)
  out = jax.ShapeDtypeStruct((n, d), jnp.float32)
  return pl.pallas_call(
      _pre_body,
      grid=grid,
      in_specs=[
          pl.BlockSpec((block_rows, d), lambda i: (i, 0)),
          pl.BlockSpec((d, d), lambda i: (0, 0)),
          pl.BlockSpec((d, d), lambda i: (0, 0)),
          pl.BlockSpec((1, d), lambda i: (0, 0)),
          pl.BlockSpec((1, d), lambda i: (0, 0)),
      ],
      out_specs=[
          pl.BlockSpec((block_rows, d), lambda i: (i, 0)),
          pl.BlockSpec((block_rows, d), lambda i: (i, 0)),
      ],
      out_shape=[out, out],
      compiler_params=pltpu.CompilerParams(
          dimension_semantics=("parallel",)),
  )(x, W_S, W_T, b_S, b_vec)


def _sc_agg_body(n_pad, q0, extra, y_hbm, ei_hbm, tf_hbm,
                 ids_hbm, acc_out, tagg_out,
                 acc_sp, tagg_sp, ids_v,
                 col_v0, col_v1, row_v0, row_v1,
                 rows_v0, rows_v1, tf_v0, tf_v1,
                 lsem0, lsem1, gsem0, gsem1, ssem0, ssem1):
  c = lax.axis_index("c")
  s = lax.axis_index("s")
  wid = c * NS + s
  col_v = (col_v0, col_v1)
  row_v = (row_v0, row_v1)
  rows_v = (rows_v0, rows_v1)
  tf_v = (tf_v0, tf_v1)
  lsem = (lsem0, lsem1)
  gsem = (gsem0, gsem1)
  ssem = (ssem0, ssem1)

  z16 = jnp.zeros((16,), jnp.float32)

  @pl.loop(0, CHUNK)
  def _zbuf(i):
    for j in range(8):
      rows_v0[i, pl.ds(j * 16, 16)] = z16
    tf_v0[i, :] = z16

  nzc = n_pad // CHUNK
  my_nz = (nzc - s + NS - 1) // NS

  @pl.loop(0, my_nz)
  def _zero(k):
    off = (s + k * NS) * CHUNK
    pltpu.sync_copy(ids_hbm.at[pl.ds(off, CHUNK)], ids_v)
    pltpu.sync_copy(rows_v0, acc_sp.at[ids_v])
    pltpu.sync_copy(tf_v0, tagg_sp.at[ids_v])

  plsc.subcore_barrier()

  base = wid * q0

  def issue_loads(g, b):
    off = (base + g) * CHUNK
    pltpu.async_copy(ei_hbm.at[1, pl.ds(off, CHUNK)], col_v[b], lsem[b])
    pltpu.async_copy(ei_hbm.at[0, pl.ds(off, CHUNK)], row_v[b], lsem[b])
    pltpu.async_copy(tf_hbm.at[pl.ds(off, CHUNK), :], tf_v[b], lsem[b])

  def wait_loads(b):
    pltpu.make_async_copy(ei_hbm.at[1, pl.ds(0, CHUNK)], col_v[b], lsem[b]).wait()
    pltpu.make_async_copy(ei_hbm.at[0, pl.ds(0, CHUNK)], row_v[b], lsem[b]).wait()
    pltpu.make_async_copy(tf_hbm.at[pl.ds(0, CHUNK), :], tf_v[b], lsem[b]).wait()

  def drain_scatters(b):
    pltpu.make_async_copy(rows_v[b], acc_sp.at[row_v[b]], ssem[b]).wait()
    pltpu.make_async_copy(tf_v[b], tagg_sp.at[row_v[b]], ssem[b]).wait()

  issue_loads(0, 0)

  @pl.loop(0, q0 // RING)
  def _pipe(p):
    for r in range(RING):
      g = RING * p + r
      b = r
      ob = 1 - r
      wait_loads(b)
      pltpu.async_copy(y_hbm.at[col_v[b]], rows_v[b], gsem[b])
      if r == 0:
        @pl.when(p > 0)
        def _():
          drain_scatters(ob)
        issue_loads(g + 1, ob)
      else:
        drain_scatters(ob)

        @pl.when(g + 1 < q0)
        def _():
          issue_loads(g + 1, ob)
      pltpu.make_async_copy(y_hbm.at[col_v[b]], rows_v[b], gsem[b]).wait()
      pltpu.async_copy(rows_v[b], acc_sp.at[row_v[b]], ssem[b], add=True)
      pltpu.async_copy(tf_v[b], tagg_sp.at[row_v[b]], ssem[b], add=True)

  drain_scatters((q0 - 1) % RING)

  if extra:
    @pl.when(wid < extra)
    def _extra():
      off = (q0 * NW + wid) * CHUNK
      pltpu.sync_copy(ei_hbm.at[1, pl.ds(off, CHUNK)], col_v0)
      pltpu.sync_copy(ei_hbm.at[0, pl.ds(off, CHUNK)], row_v0)
      pltpu.sync_copy(tf_hbm.at[pl.ds(off, CHUNK), :], tf_v0)
      pltpu.sync_copy(y_hbm.at[col_v0], rows_v0)
      pltpu.sync_copy(rows_v0, acc_sp.at[row_v0], add=True)
      pltpu.sync_copy(tf_v0, tagg_sp.at[row_v0], add=True)

  plsc.subcore_barrier()

  @pl.loop(0, my_nz)
  def _wout(k):
    off = (s + k * NS) * CHUNK
    pltpu.sync_copy(ids_hbm.at[pl.ds(off, CHUNK)], ids_v)
    pltpu.sync_copy(acc_sp.at[ids_v], rows_v0)
    pltpu.sync_copy(tagg_sp.at[ids_v], tf_v0)
    pltpu.sync_copy(rows_v0, acc_out.at[c, pl.ds(off, CHUNK), :])
    pltpu.sync_copy(tf_v0, tagg_out.at[c, pl.ds(off, CHUNK), :])


def _sc_agg(y, ei, tf, ids, n_pad):
  d = y.shape[1]
  e = ei.shape[1]
  dt = tf.shape[1]
  assert e % CHUNK == 0 and n_pad % CHUNK == 0
  nec = e // CHUNK
  q0 = (nec // NW) // RING * RING
  extra = nec - q0 * NW
  assert 0 <= extra < 2 * NW and q0 > 0
  mesh = plsc.VectorSubcoreMesh(core_axis_name="c", subcore_axis_name="s")
  kern = pl.kernel(
      functools.partial(_sc_agg_body, n_pad, q0, extra),
      out_type=[
          jax.ShapeDtypeStruct((NC, n_pad, d), jnp.float32),
          jax.ShapeDtypeStruct((NC, n_pad, dt), jnp.float32),
      ],
      mesh=mesh,
      compiler_params=pltpu.CompilerParams(use_tc_tiling_on_sc=False),
      scratch_types=(
          [pltpu.VMEM_SHARED((n_pad, d), jnp.float32),
           pltpu.VMEM_SHARED((n_pad, dt), jnp.float32),
           pltpu.VMEM((CHUNK,), jnp.int32)]
          + [pltpu.VMEM((CHUNK,), jnp.int32)] * 4
          + [pltpu.VMEM((CHUNK, d), jnp.float32)] * 2
          + [pltpu.VMEM((CHUNK, dt), jnp.float32)] * 2
          + [pltpu.SemaphoreType.DMA] * 6
      ),
  )
  return kern(y, ei, tf, ids)


def _post_body(s_ref, acc_ref, tagg_ref, wt_ref, o_ref):
  agg = acc_ref[0] + acc_ref[1]
  tg = tagg_ref[0] + tagg_ref[1]
  msg = agg + jnp.dot(tg, wt_ref[...], preferred_element_type=jnp.float32)
  o_ref[...] = jnp.maximum(s_ref[...] + msg, 0.0)


def _post(s, acc, tagg, W_tmp, block_rows):
  n, d = s.shape
  dt = W_tmp.shape[0]
  grid = (n // block_rows,)
  return pl.pallas_call(
      _post_body,
      grid=grid,
      in_specs=[
          pl.BlockSpec((block_rows, d), lambda i: (i, 0)),
          pl.BlockSpec((NC, block_rows, d), lambda i: (0, i, 0)),
          pl.BlockSpec((NC, block_rows, dt), lambda i: (0, i, 0)),
          pl.BlockSpec((dt, d), lambda i: (0, 0)),
      ],
      out_specs=pl.BlockSpec((block_rows, d), lambda i: (i, 0)),
      out_shape=jax.ShapeDtypeStruct((n, d), jnp.float32),
      compiler_params=pltpu.CompilerParams(
          dimension_semantics=("parallel",)),
  )(s, acc, tagg, W_tmp)


def kernel(x, edge_index, temporal_features, W_S, b_S, W_T, b_T, W_tmp, b_tmp):
  n, d = x.shape
  ei = edge_index.astype(jnp.int32)
  tf = temporal_features
  b_s2 = b_S.reshape(1, d).astype(jnp.float32)
  b_vec = (b_T + b_tmp).reshape(1, d).astype(jnp.float32)

  s_feat, y = _pre(x, W_S, W_T, b_s2, b_vec, block_rows=1000)

  n_pad = ((n + CHUNK - 1) // CHUNK) * CHUNK
  ids = jnp.arange(n_pad, dtype=jnp.int32)
  acc, tagg = _sc_agg(y, ei, tf, ids, n_pad)

  return _post(s_feat, acc, tagg, W_tmp, block_rows=1000)

# --- scband reference (transcript-rebuilt; emitter-appended) ---
"""Pipeline reference for scband-temporal-message-passing-layer-34600256537308 (READ-ONLY COPY).

The authoritative reference and input builder live on the scoring server;
editing this copy changes nothing except your own understanding.
"""

import jax, jax.numpy as jnp
import numpy as np

N_NODES = 10000
N_EDGES = 320000
D_IN = 128
D_OUT = 128
D_TEMP = 16

def setup_inputs(seed: int = 0) -> dict:
    key = jax.random.key(seed)
    ks = jax.random.split(key, 10)
    x = jax.random.normal(ks[0], (N_NODES, D_IN), dtype=jnp.float32)
    edge_index = jax.random.randint(ks[1], (2, N_EDGES), 0, N_NODES, dtype=jnp.int64)
    temporal_features = jax.random.normal(ks[2], (N_EDGES, D_TEMP), dtype=jnp.float32)
    s = 1.0 / np.sqrt(D_IN)
    W_S = jax.random.uniform(ks[3], (D_IN, D_OUT), minval=-s, maxval=s, dtype=jnp.float32)
    b_S = jax.random.uniform(ks[4], (D_OUT,), minval=-s, maxval=s, dtype=jnp.float32)
    W_T = jax.random.uniform(ks[5], (D_IN, D_OUT), minval=-s, maxval=s, dtype=jnp.float32)
    b_T = jax.random.uniform(ks[6], (D_OUT,), minval=-s, maxval=s, dtype=jnp.float32)
    st = 1.0 / np.sqrt(D_TEMP)
    W_tmp = jax.random.uniform(ks[7], (D_TEMP, D_OUT), minval=-st, maxval=st, dtype=jnp.float32)
    b_tmp = jax.random.uniform(ks[8], (D_OUT,), minval=-st, maxval=st, dtype=jnp.float32)
    return {"x": x, "edge_index": edge_index, "temporal_features": temporal_features,
            "W_S": W_S, "b_S": b_S, "W_T": W_T, "b_T": b_T, "W_tmp": W_tmp, "b_tmp": b_tmp}

def reference(x, edge_index, temporal_features, W_S, b_S, W_T, b_T, W_tmp, b_tmp):
    num_nodes = x.shape[0]
    row = edge_index[0]
    col = edge_index[1]
    self_features = x @ W_S + b_S
    neighbor_features = jnp.take(x, col, axis=0) @ W_T + b_T
    temporal_encodings = temporal_features @ W_tmp + b_tmp
    messages = neighbor_features + temporal_encodings
    aggregated_messages = jnp.zeros((num_nodes, messages.shape[1]), dtype=messages.dtype).at[row].add(messages)
    r_u = jax.nn.relu(self_features + aggregated_messages)
    return r_u

if __name__ == "__main__":
    import jax
    _d = setup_inputs()
    print(jax.jit(kernel)(*tuple(_d.values())))

</pallas_src>

<mosaic_0001>
#map = affine_map<(d0, d1) -> (0, 0)>
#map1 = affine_map<(d0, d1) -> (0)>
#map2 = affine_map<(d0, d1) -> (0, 0, 0)>
module attributes {stable_mosaic.version = 14 : i64} {
  func.func @_sc_agg_body(%arg0: i32, %arg1: i32, %arg2: memref<10000x128xf32, #tpu.memory_space<hbm>>, %arg3: memref<2x320000xi32, #tpu.memory_space<hbm>>, %arg4: memref<320000x16xf32, #tpu.memory_space<hbm>>, %arg5: memref<10112xi32, #tpu.memory_space<hbm>>, %arg6: memref<2x10112x128xf32, #tpu.memory_space<hbm>>, %arg7: memref<2x10112x16xf32, #tpu.memory_space<hbm>>, %arg8: memref<10112x128xf32, #tpu.memory_space<vmem_shared>>, %arg9: memref<10112x16xf32, #tpu.memory_space<vmem_shared>>, %arg10: memref<128xi32, #tpu.memory_space<vmem>>, %arg11: memref<128xi32, #tpu.memory_space<vmem>>, %arg12: memref<128xi32, #tpu.memory_space<vmem>>, %arg13: memref<128xi32, #tpu.memory_space<vmem>>, %arg14: memref<128xi32, #tpu.memory_space<vmem>>, %arg15: memref<128x128xf32, #tpu.memory_space<vmem>>, %arg16: memref<128x128xf32, #tpu.memory_space<vmem>>, %arg17: memref<128x16xf32, #tpu.memory_space<vmem>>, %arg18: memref<128x16xf32, #tpu.memory_space<vmem>>, %arg19: memref<!tpu.dma_semaphore, #tpu.memory_space<semaphore_mem>>, %arg20: memref<!tpu.dma_semaphore, #tpu.memory_space<semaphore_mem>>, %arg21: memref<!tpu.dma_semaphore, #tpu.memory_space<semaphore_mem>>, %arg22: memref<!tpu.dma_semaphore, #tpu.memory_space<semaphore_mem>>, %arg23: memref<!tpu.dma_semaphore, #tpu.memory_space<semaphore_mem>>, %arg24: memref<!tpu.dma_semaphore, #tpu.memory_space<semaphore_mem>>) attributes {dimension_semantics = [#tpu.dimension_semantics<core_parallel>, #tpu.dimension_semantics<subcore_parallel>], iteration_bounds = array<i64: 2, 16>, scalar_prefetch = 0 : i64, scratch_operands = 17 : i64, tpu.core_type = #tpu.core_type<sc_vector_subcore>, window_params = [{transform_indices = #map}, {transform_indices = #map}, {transform_indices = #map}, {transform_indices = #map1}, {transform_indices = #map2}, {transform_indices = #map2}]} {
    %mul3A = arith.constant 16 : i32
    %mul3A_0 = arith.muli %arg0, %mul3A : i32
    %add3A = arith.addi %mul3A_0, %arg1 : i32
    %broadcast_in_dim3A = arith.constant 0.000000e+00 : f32
    %broadcast_in_dim3A_1 = vector.broadcast %broadcast_in_dim3A : f32 to vector<16xf32>
    %scan3A = arith.constant 0 : i32
    %scan3A_2 = arith.constant 128 : i32
    %scan3A_3 = arith.addi %scan3A, %scan3A_2 : i32
    %scan3A_4 = arith.constant 1 : i32
    scf.for %scan3A_97 = %scan3A to %scan3A_3 step %scan3A_4  : i32 {
      %mul3A_98 = arith.constant 1 : i32
      %mul3A_99 = arith.muli %scan3A_97, %mul3A_98 : i32
      %add3A_100 = arith.constant 0 : i32
      %add3A_101 = arith.addi %add3A_100, %mul3A_99 : i32
      %swap3A = arith.index_cast %add3A_101 : i32 to index
      %swap3A_102 = arith.constant 0 : index
      %swap3A_103 = tpu.vector_load %arg15[%swap3A, %swap3A_102] {strides = array<i32>} : memref<128x128xf32, #tpu.memory_space<vmem>>, vector<1x16xf32>,
      %swap3A_104 = vector.shape_cast %swap3A_103 : vector<1x16xf32> to vector<16xf32>
      %swap3A_105 = vector.shape_cast %broadcast_in_dim3A_1 : vector<16xf32> to vector<1x16xf32>
      tpu.vector_store %arg15[%swap3A, %swap3A_102], %swap3A_105 {strides = array<i32>} : memref<128x128xf32, #tpu.memory_space<vmem>>, vector<1x16xf32>,
      %swap3A_106 = arith.index_cast %add3A_101 : i32 to index
      %swap3A_107 = arith.constant 16 : index
      %swap3A_108 = tpu.vector_load %arg15[%swap3A_106, %swap3A_107] {strides = array<i32>} : memref<128x128xf32, #tpu.memory_space<vmem>>, vector<1x16xf32>,
      %swap3A_109 = vector.shape_cast %swap3A_108 : vector<1x16xf32> to vector<16xf32>
      %swap3A_110 = vector.shape_cast %broadcast_in_dim3A_1 : vector<16xf32> to vector<1x16xf32>
      tpu.vector_store %arg15[%swap3A_106, %swap3A_107], %swap3A_110 {strides = array<i32>} : memref<128x128xf32, #tpu.memory_space<vmem>>, vector<1x16xf32>,
      %swap3A_111 = arith.index_cast %add3A_101 : i32 to index
      %swap3A_112 = arith.constant 32 : index
      %swap3A_113 = tpu.vector_load %arg15[%swap3A_111, %swap3A_112] {strides = array<i32>} : memref<128x128xf32, #tpu.memory_space<vmem>>, vector<1x16xf32>,
      %swap3A_114 = vector.shape_cast %swap3A_113 : vector<1x16xf32> to vector<16xf32>
      %swap3A_115 = vector.shape_cast %broadcast_in_dim3A_1 : vector<16xf32> to vector<1x16xf32>
      tpu.vector_store %arg15[%swap3A_111, %swap3A_112], %swap3A_115 {strides = array<i32>} : memref<128x128xf32, #tpu.memory_space<vmem>>, vector<1x16xf32>,
      %swap3A_116 = arith.index_cast %add3A_101 : i32 to index
      %swap3A_117 = arith.constant 48 : index
      %swap3A_118 = tpu.vector_load %arg15[%swap3A_116, %swap3A_117] {strides = array<i32>} : memref<128x128xf32, #tpu.memory_space<vmem>>, vector<1x16xf32>,
      %swap3A_119 = vector.shape_cast %swap3A_118 : vector<1x16xf32> to vector<16xf32>
      %swap3A_120 = vector.shape_cast %broadcast_in_dim3A_1 : vector<16xf32> to vector<1x16xf32>
      tpu.vector_store %arg15[%swap3A_116, %swap3A_117], %swap3A_120 {strides = array<i32>} : memref<128x128xf32, #tpu.memory_space<vmem>>, vector<1x16xf32>,
      %swap3A_121 = arith.index_cast %add3A_101 : i32 to index
      %swap3A_122 = arith.constant 64 : index
      %swap3A_123 = tpu.vector_load %arg15[%swap3A_121, %swap3A_122] {strides = array<i32>} : memref<128x128xf32, #tpu.memory_space<vmem>>, vector<1x16xf32>,
      %swap3A_124 = vector.shape_cast %swap3A_123 : vector<1x16xf32> to vector<16xf32>
      %swap3A_125 = vector.shape_cast %broadcast_in_dim3A_1 : vector<16xf32> to vector<1x16xf32>
      tpu.vector_store %arg15[%swap3A_121, %swap3A_122], %swap3A_125 {strides = array<i32>} : memref<128x128xf32, #tpu.memory_space<vmem>>, vector<1x16xf32>,
      %swap3A_126 = arith.index_cast %add3A_101 : i32 to index
      %swap3A_127 = arith.constant 80 : index
      %swap3A_128 = tpu.vector_load %arg15[%swap3A_126, %swap3A_127] {strides = array<i32>} : memref<128x128xf32, #tpu.memory_space<vmem>>, vector<1x16xf32>,
      %swap3A_129 = vector.shape_cast %swap3A_128 : vector<1x16xf32> to vector<16xf32>
      %swap3A_130 = vector.shape_cast %broadcast_in_dim3A_1 : vector<16xf32> to vector<1x16xf32>
      tpu.vector_store %arg15[%swap3A_126, %swap3A_127], %swap3A_130 {strides = array<i32>} : memref<128x128xf32, #tpu.memory_space<vmem>>, vector<1x16xf32>,
      %swap3A_131 = arith.index_cast %add3A_101 : i32 to index
      %swap3A_132 = arith.constant 96 : index
      %swap3A_133 = tpu.vector_load %arg15[%swap3A_131, %swap3A_132] {strides = array<i32>} : memref<128x128xf32, #tpu.memory_space<vmem>>, vector<1x16xf32>,
      %swap3A_134 = vector.shape_cast %swap3A_133 : vector<1x16xf32> to vector<16xf32>
      %swap3A_135 = vector.shape_cast %broadcast_in_dim3A_1 : vector<16xf32> to vector<1x16xf32>
      tpu.vector_store %arg15[%swap3A_131, %swap3A_132], %swap3A_135 {strides = array<i32>} : memref<128x128xf32, #tpu.memory_space<vmem>>, vector<1x16xf32>,
      %swap3A_136 = arith.index_cast %add3A_101 : i32 to index
      %swap3A_137 = arith.constant 112 : index
      %swap3A_138 = tpu.vector_load %arg15[%swap3A_136, %swap3A_137] {strides = array<i32>} : memref<128x128xf32, #tpu.memory_space<vmem>>, vector<1x16xf32>,
      %swap3A_139 = vector.shape_cast %swap3A_138 : vector<1x16xf32> to vector<16xf32>
      %swap3A_140 = vector.shape_cast %broadcast_in_dim3A_1 : vector<16xf32> to vector<1x16xf32>
      tpu.vector_store %arg15[%swap3A_136, %swap3A_137], %swap3A_140 {strides = array<i32>} : memref<128x128xf32, #tpu.memory_space<vmem>>, vector<1x16xf32>,
      %swap3A_141 = arith.index_cast %add3A_101 : i32 to index
      %swap3A_142 = arith.constant 0 : index
      %swap3A_143 = tpu.vector_load %arg17[%swap3A_141, %swap3A_142] {strides = array<i32>} : memref<128x16xf32, #tpu.memory_space<vmem>>, vector<1x16xf32>,
      %swap3A_144 = vector.shape_cast %swap3A_143 : vector<1x16xf32> to vector<16xf32>
      %swap3A_145 = vector.shape_cast %broadcast_in_dim3A_1 : vector<16xf32> to vector<1x16xf32>
      tpu.vector_store %arg17[%swap3A_141, %swap3A_142], %swap3A_145 {strides = array<i32>} : memref<128x16xf32, #tpu.memory_space<vmem>>, vector<1x16xf32>,
    }
    %scan3A_5 = arith.constant 128 : i32
    %sub3A = arith.constant 79 : i32
    %sub3A_6 = arith.subi %sub3A, %arg1 : i32
    %add3A_7 = arith.constant 16 : i32
    %add3A_8 = arith.addi %sub3A_6, %add3A_7 : i32
    %sub3A_9 = arith.constant 1 : i32
    %sub3A_10 = arith.subi %add3A_8, %sub3A_9 : i32
    %jit3A = arith.constant 16 : i32
    %div3A = arith.divsi %sub3A_10, %jit3A : i32
    %sign3A = arith.constant 0 : i32
    %sign3A_11 = arith.cmpi sgt, %sub3A_10, %sign3A : i32
    %sign3A_12 = arith.extui %sign3A_11 : i1 to i32
    %sign3A_13 = arith.constant 0 : i32
    %sign3A_14 = arith.cmpi slt, %sub3A_10, %sign3A_13 : i32
    %sign3A_15 = arith.extui %sign3A_14 : i1 to i32
    %sign3A_16 = arith.subi %sign3A_12, %sign3A_15 : i32
    %sign3A_17 = arith.constant 0 : i32
    %sign3A_18 = arith.cmpi sgt, %jit3A, %sign3A_17 : i32
    %sign3A_19 = arith.extui %sign3A_18 : i1 to i32
    %sign3A_20 = arith.constant 0 : i32
    %sign3A_21 = arith.cmpi slt, %jit3A, %sign3A_20 : i32
    %sign3A_22 = arith.extui %sign3A_21 : i1 to i32
    %sign3A_23 = arith.subi %sign3A_19, %sign3A_22 : i32
    %ne3A = arith.cmpi ne, %sign3A_16, %sign3A_23 : i32
    %rem3A = arith.remsi %sub3A_10, %jit3A : i32
    %ne3A_24 = arith.constant 0 : i32
    %ne3A_25 = arith.cmpi ne, %rem3A, %ne3A_24 : i32
    %and3A = arith.andi %ne3A, %ne3A_25 : i1
    %sub3A_26 = arith.constant 1 : i32
    %sub3A_27 = arith.subi %div3A, %sub3A_26 : i32
    %select_n3A = arith.select %and3A, %sub3A_27, %div3A : i32
    %sub3A_28 = arith.constant 0 : i32
    %sub3A_29 = arith.subi %select_n3A, %sub3A_28 : i32
    %sub3A_30 = arith.constant 1 : i32
    %sub3A_31 = arith.constant 1 : i32
    %sub3A_32 = arith.subi %sub3A_30, %sub3A_31 : i32
    %add3A_33 = arith.addi %sub3A_29, %sub3A_32 : i32
    %div3A_34 = arith.constant 1 : i32
    %div3A_35 = arith.divsi %add3A_33, %div3A_34 : i32
    %while3A = arith.constant 1 : i32
    %while3A_36 = arith.constant 0 : i32
    %while3A_37 = arith.constant 0 : i32
    %while3A_38 = arith.subi %div3A_35, %while3A_37 : i32
    %while3A_39 = arith.addi %while3A_37, %while3A_38 : i32
    %while3A_40 = arith.constant 1 : i32
    %while3A_41 = arith.divsi %while3A_38, %while3A_40 : i32
    %while3A_42 = arith.muli %while3A_41, %while3A_40 : i32
    %while3A_43 = arith.addi %while3A_37, %while3A_42 : i32
    %while3A_44 = arith.constant 1 : i32
    scf.for %while3A_97 = %while3A_37 to %while3A_43 step %while3A_44  : i32 {
      %mul3A_98 = arith.muli %while3A_97, %while3A : i32
      %add3A_99 = arith.addi %while3A_36, %mul3A_98 : i32
      %mul3A_100 = arith.constant 16 : i32
      %mul3A_101 = arith.muli %add3A_99, %mul3A_100 : i32
      %add3A_102 = arith.addi %arg1, %mul3A_101 : i32
      %mul3A_103 = arith.constant 128 : i32
      %mul3A_104 = arith.muli %add3A_102, %mul3A_103 : i32
      "tpu.region"() ({
        %run_scoped3A = tpu.sem_alloc : memref<!tpu.dma_semaphore, #tpu.memory_space<semaphore_mem>>
        %dma_start3A_105 = tpu.memref_slice %arg5[%mul3A_104] : memref<10112xi32, #tpu.memory_space<hbm>> -> memref<128xi32, #tpu.memory_space<hbm>>
        %dma_start3A_106 = tpu.memref_slice %arg5[%mul3A_104] : memref<10112xi32, #tpu.memory_space<hbm>> -> memref<128xi32, #tpu.memory_space<hbm>>
        tpu.enqueue_dma source(%dma_start3A_106 : memref<128xi32, #tpu.memory_space<hbm>>) target(%arg10 : memref<128xi32, #tpu.memory_space<vmem>>) target_semaphore(%run_scoped3A : memref<!tpu.dma_semaphore, #tpu.memory_space<semaphore_mem>>)
        %dma_wait3A_107 = tpu.memref_slice %arg5[%mul3A_104] : memref<10112xi32, #tpu.memory_space<hbm>> -> memref<128xi32, #tpu.memory_space<hbm>>
        %dma_wait3A_108 = tpu.memref_slice %arg5[%mul3A_104] : memref<10112xi32, #tpu.memory_space<hbm>> -> memref<128xi32, #tpu.memory_space<hbm>>
        tpu.wait_dma2 semaphore(%run_scoped3A : memref<!tpu.dma_semaphore, #tpu.memory_space<semaphore_mem>>) src(%dma_wait3A_108 : memref<128xi32, #tpu.memory_space<hbm>>) dst(%arg10 : memref<128xi32, #tpu.memory_space<vmem>>)
        tpu.yield
      }) : () -> ()
      "tpu.region"() ({
        %run_scoped3A = tpu.sem_alloc : memref<!tpu.dma_semaphore, #tpu.memory_space<semaphore_mem>>
        %dma_start3A_105 = arith.constant 0 : i32
        %dma_start3A_106 = arith.constant 0 : i32
        %dma_start3A_107 = tpu.memref_slice %arg8[%dma_start3A_105, %dma_start3A_106] : memref<10112x128xf32, #tpu.memory_space<vmem_shared>> -> memref<10112x128xf32, #tpu.memory_space<vmem_shared>>
        tpu.enqueue_indirect_dma source(%arg15 : memref<128x128xf32, #tpu.memory_space<vmem>>) target(%dma_start3A_107 : memref<10112x128xf32, #tpu.memory_space<vmem_shared>>) offsets(%arg10 : memref<128xi32, #tpu.memory_space<vmem>>) semaphore(%run_scoped3A : memref<!tpu.dma_semaphore, #tpu.memory_space<semaphore_mem>>)
        %dma_wait3A_108 = arith.constant 0 : i32
        %dma_wait3A_109 = arith.constant 0 : i32
        %dma_wait3A_110 = tpu.memref_slice %arg8[%dma_wait3A_108, %dma_wait3A_109] : memref<10112x128xf32, #tpu.memory_space<vmem_shared>> -> memref<10112x128xf32, #tpu.memory_space<vmem_shared>>
        tpu.wait_indirect_dma semaphore(%run_scoped3A : memref<!tpu.dma_semaphore, #tpu.memory_space<semaphore_mem>>) src(%arg15 : memref<128x128xf32, #tpu.memory_space<vmem>>) dst(%dma_wait3A_110 : memref<10112x128xf32, #tpu.memory_space<vmem_shared>>)
        tpu.yield
      }) : () -> ()
      "tpu.region"() ({
        %run_scoped3A = tpu.sem_alloc : memref<!tpu.dma_semaphore, #tpu.memory_space<semaphore_mem>>
        %dma_start3A_105 = arith.constant 0 : i32
        %dma_start3A_106 = arith.constant 0 : i32
        %dma_start3A_107 = tpu.memref_slice %arg9[%dma_start3A_105, %dma_start3A_106] : memref<10112x16xf32, #tpu.memory_space<vmem_shared>> -> memref<10112x16xf32, #tpu.memory_space<vmem_shared>>
        tpu.enqueue_indirect_dma source(%arg17 : memref<128x16xf32, #tpu.memory_space<vmem>>) target(%dma_start3A_107 : memref<10112x16xf32, #tpu.memory_space<vmem_shared>>) offsets(%arg10 : memref<128xi32, #tpu.memory_space<vmem>>) semaphore(%run_scoped3A : memref<!tpu.dma_semaphore, #tpu.memory_space<semaphore_mem>>)
        %dma_wait3A_108 = arith.constant 0 : i32
        %dma_wait3A_109 = arith.constant 0 : i32
        %dma_wait3A_110 = tpu.memref_slice %arg9[%dma_wait3A_108, %dma_wait3A_109] : memref<10112x16xf32, #tpu.memory_space<vmem_shared>> -> memref<10112x16xf32, #tpu.memory_space<vmem_shared>>
        tpu.wait_indirect_dma semaphore(%run_scoped3A : memref<!tpu.dma_semaphore, #tpu.memory_space<semaphore_mem>>) src(%arg17 : memref<128x16xf32, #tpu.memory_space<vmem>>) dst(%dma_wait3A_110 : memref<10112x16xf32, #tpu.memory_space<vmem_shared>>)
        tpu.yield
      }) : () -> ()
    }
    %while3A_45 = arith.constant 1 : i32
    scf.for %while3A_97 = %while3A_43 to %while3A_39 step %while3A_45  : i32 {
      %mul3A_98 = arith.muli %while3A_97, %while3A : i32
      %add3A_99 = arith.addi %while3A_36, %mul3A_98 : i32
      %mul3A_100 = arith.constant 16 : i32
      %mul3A_101 = arith.muli %add3A_99, %mul3A_100 : i32
      %add3A_102 = arith.addi %arg1, %mul3A_101 : i32
      %mul3A_103 = arith.constant 128 : i32
      %mul3A_104 = arith.muli %add3A_102, %mul3A_103 : i32
      "tpu.region"() ({
        %run_scoped3A = tpu.sem_alloc : memref<!tpu.dma_semaphore, #tpu.memory_space<semaphore_mem>>
        %dma_start3A_105 = tpu.memref_slice %arg5[%mul3A_104] : memref<10112xi32, #tpu.memory_space<hbm>> -> memref<128xi32, #tpu.memory_space<hbm>>
        %dma_start3A_106 = tpu.memref_slice %arg5[%mul3A_104] : memref<10112xi32, #tpu.memory_space<hbm>> -> memref<128xi32, #tpu.memory_space<hbm>>
        tpu.enqueue_dma source(%dma_start3A_106 : memref<128xi32, #tpu.memory_space<hbm>>) target(%arg10 : memref<128xi32, #tpu.memory_space<vmem>>) target_semaphore(%run_scoped3A : memref<!tpu.dma_semaphore, #tpu.memory_space<semaphore_mem>>)
        %dma_wait3A_107 = tpu.memref_slice %arg5[%mul3A_104] : memref<10112xi32, #tpu.memory_space<hbm>> -> memref<128xi32, #tpu.memory_space<hbm>>
        %dma_wait3A_108 = tpu.memref_slice %arg5[%mul3A_104] : memref<10112xi32, #tpu.memory_space<hbm>> -> memref<128xi32, #tpu.memory_space<hbm>>
        tpu.wait_dma2 semaphore(%run_scoped3A : memref<!tpu.dma_semaphore, #tpu.memory_space<semaphore_mem>>) src(%dma_wait3A_108 : memref<128xi32, #tpu.memory_space<hbm>>) dst(%arg10 : memref<128xi32, #tpu.memory_space<vmem>>)
        tpu.yield
      }) : () -> ()
      "tpu.region"() ({
        %run_scoped3A = tpu.sem_alloc : memref<!tpu.dma_semaphore, #tpu.memory_space<semaphore_mem>>
        %dma_start3A_105 = arith.constant 0 : i32
        %dma_start3A_106 = arith.constant 0 : i32
        %dma_start3A_107 = tpu.memref_slice %arg8[%dma_start3A_105, %dma_start3A_106] : memref<10112x128xf32, #tpu.memory_space<vmem_shared>> -> memref<10112x128xf32, #tpu.memory_space<vmem_shared>>
        tpu.enqueue_indirect_dma source(%arg15 : memref<128x128xf32, #tpu.memory_space<vmem>>) target(%dma_start3A_107 : memref<10112x128xf32, #tpu.memory_space<vmem_shared>>) offsets(%arg10 : memref<128xi32, #tpu.memory_space<vmem>>) semaphore(%run_scoped3A : memref<!tpu.dma_semaphore, #tpu.memory_space<semaphore_mem>>)
        %dma_wait3A_108 = arith.constant 0 : i32
        %dma_wait3A_109 = arith.constant 0 : i32
        %dma_wait3A_110 = tpu.memref_slice %arg8[%dma_wait3A_108, %dma_wait3A_109] : memref<10112x128xf32, #tpu.memory_space<vmem_shared>> -> memref<10112x128xf32, #tpu.memory_space<vmem_shared>>
        tpu.wait_indirect_dma semaphore(%run_scoped3A : memref<!tpu.dma_semaphore, #tpu.memory_space<semaphore_mem>>) src(%arg15 : memref<128x128xf32, #tpu.memory_space<vmem>>) dst(%dma_wait3A_110 : memref<10112x128xf32, #tpu.memory_space<vmem_shared>>)
        tpu.yield
      }) : () -> ()
      "tpu.region"() ({
        %run_scoped3A = tpu.sem_alloc : memref<!tpu.dma_semaphore, #tpu.memory_space<semaphore_mem>>
        %dma_start3A_105 = arith.constant 0 : i32
        %dma_start3A_106 = arith.constant 0 : i32
        %dma_start3A_107 = tpu.memref_slice %arg9[%dma_start3A_105, %dma_start3A_106] : memref<10112x16xf32, #tpu.memory_space<vmem_shared>> -> memref<10112x16xf32, #tpu.memory_space<vmem_shared>>
        tpu.enqueue_indirect_dma source(%arg17 : memref<128x16xf32, #tpu.memory_space<vmem>>) target(%dma_start3A_107 : memref<10112x16xf32, #tpu.memory_space<vmem_shared>>) offsets(%arg10 : memref<128xi32, #tpu.memory_space<vmem>>) semaphore(%run_scoped3A : memref<!tpu.dma_semaphore, #tpu.memory_space<semaphore_mem>>)
        %dma_wait3A_108 = arith.constant 0 : i32
        %dma_wait3A_109 = arith.constant 0 : i32
        %dma_wait3A_110 = tpu.memref_slice %arg9[%dma_wait3A_108, %dma_wait3A_109] : memref<10112x16xf32, #tpu.memory_space<vmem_shared>> -> memref<10112x16xf32, #tpu.memory_space<vmem_shared>>
        tpu.wait_indirect_dma semaphore(%run_scoped3A : memref<!tpu.dma_semaphore, #tpu.memory_space<semaphore_mem>>) src(%arg17 : memref<128x16xf32, #tpu.memory_space<vmem>>) dst(%dma_wait3A_110 : memref<10112x16xf32, #tpu.memory_space<vmem_shared>>)
        tpu.yield
      }) : () -> ()
    }
    %barrier3A = arith.constant 0 : index
    tpu.barrier barrier_id(%barrier3A)
    %mul3A_46 = arith.constant 78 : i32
    %mul3A_47 = arith.muli %add3A, %mul3A_46 : i32
    %add3A_48 = arith.constant 0 : i32
    %add3A_49 = arith.addi %mul3A_47, %add3A_48 : i32
    %mul3A_50 = arith.constant 128 : i32
    %mul3A_51 = arith.muli %add3A_49, %mul3A_50 : i32
    %dma_start3A = arith.constant 1 : i32
    %dma_start3A_52 = tpu.memref_slice %arg3[%dma_start3A, %mul3A_51] : memref<2x320000xi32, #tpu.memory_space<hbm>> -> memref<1x128xi32, #tpu.memory_space<hbm>>
    %dma_start3A_53 = tpu.memref_squeeze %dma_start3A_52 : memref<1x128xi32, #tpu.memory_space<hbm>> -> memref<128xi32, #tpu.memory_space<hbm>>
    %dma_start3A_54 = tpu.memref_slice %arg3[%dma_start3A, %mul3A_51] : memref<2x320000xi32, #tpu.memory_space<hbm>> -> memref<1x128xi32, #tpu.memory_space<hbm>>
    %dma_start3A_55 = tpu.memref_squeeze %dma_start3A_54 : memref<1x128xi32, #tpu.memory_space<hbm>> -> memref<128xi32, #tpu.memory_space<hbm>>
    tpu.enqueue_dma source(%dma_start3A_55 : memref<128xi32, #tpu.memory_space<hbm>>) target(%arg11 : memref<128xi32, #tpu.memory_space<vmem>>) target_semaphore(%arg19 : memref<!tpu.dma_semaphore, #tpu.memory_space<semaphore_mem>>)
    %dma_start3A_56 = arith.constant 0 : i32
    %dma_start3A_57 = tpu.memref_slice %arg3[%dma_start3A_56, %mul3A_51] : memref<2x320000xi32, #tpu.memory_space<hbm>> -> memref<1x128xi32, #tpu.memory_space<hbm>>
    %dma_start3A_58 = tpu.memref_squeeze %dma_start3A_57 : memref<1x128xi32, #tpu.memory_space<hbm>> -> memref<128xi32, #tpu.memory_space<hbm>>
    %dma_start3A_59 = tpu.memref_slice %arg3[%dma_start3A_56, %mul3A_51] : memref<2x320000xi32, #tpu.memory_space<hbm>> -> memref<1x128xi32, #tpu.memory_space<hbm>>
    %dma_start3A_60 = tpu.memref_squeeze %dma_start3A_59 : memref<1x128xi32, #tpu.memory_space<hbm>> -> memref<128xi32, #tpu.memory_space<hbm>>
    tpu.enqueue_dma source(%dma_start3A_60 : memref<128xi32, #tpu.memory_space<hbm>>) target(%arg13 : memref<128xi32, #tpu.memory_space<vmem>>) target_semaphore(%arg19 : memref<!tpu.dma_semaphore, #tpu.memory_space<semaphore_mem>>)
    %dma_start3A_61 = arith.constant 0 : i32
    %dma_start3A_62 = tpu.memref_slice %arg4[%mul3A_51, %dma_start3A_61] : memref<320000x16xf32, #tpu.memory_space<hbm>> -> memref<128x16xf32, #tpu.memory_space<hbm>>
    %dma_start3A_63 = arith.constant 0 : i32
    %dma_start3A_64 = tpu.memref_slice %arg4[%mul3A_51, %dma_start3A_63] : memref<320000x16xf32, #tpu.memory_space<hbm>> -> memref<128x16xf32, #tpu.memory_space<hbm>>
    tpu.enqueue_dma source(%dma_start3A_64 : memref<128x16xf32, #tpu.memory_space<hbm>>) target(%arg17 : memref<128x16xf32, #tpu.memory_space<vmem>>) target_semaphore(%arg19 : memref<!tpu.dma_semaphore, #tpu.memory_space<semaphore_mem>>)
    %scan3A_65 = arith.constant 0 : i32
    %scan3A_66 = arith.constant 39 : i32
    %scan3A_67 = arith.addi %scan3A_65, %scan3A_66 : i32
    %scan3A_68 = arith.constant 1 : i32
    scf.for %scan3A_97 = %scan3A_65 to %scan3A_67 step %scan3A_68  : i32 {
      %mul3A_98 = arith.constant 1 : i32
      %mul3A_99 = arith.muli %scan3A_97, %mul3A_98 : i32
      %add3A_100 = arith.constant 0 : i32
      %add3A_101 = arith.addi %add3A_100, %mul3A_99 : i32
      %mul3A_102 = arith.constant 2 : i32
      %mul3A_103 = arith.muli %mul3A_102, %add3A_101 : i32
      %add3A_104 = arith.constant 0 : i32
      %add3A_105 = arith.addi %mul3A_103, %add3A_104 : i32
      %dma_wait3A_106 = arith.constant 1 : i32
      %dma_wait3A_107 = arith.constant 0 : i32
      %dma_wait3A_108 = tpu.memref_slice %arg3[%dma_wait3A_106, %dma_wait3A_107] : memref<2x320000xi32, #tpu.memory_space<hbm>> -> memref<1x128xi32, #tpu.memory_space<hbm>>
      %dma_wait3A_109 = tpu.memref_squeeze %dma_wait3A_108 : memref<1x128xi32, #tpu.memory_space<hbm>> -> memref<128xi32, #tpu.memory_space<hbm>>
      %dma_wait3A_110 = arith.constant 0 : i32
      %dma_wait3A_111 = tpu.memref_slice %arg3[%dma_wait3A_106, %dma_wait3A_110] : memref<2x320000xi32, #tpu.memory_space<hbm>> -> memref<1x128xi32, #tpu.memory_space<hbm>>
      %dma_wait3A_112 = tpu.memref_squeeze %dma_wait3A_111 : memref<1x128xi32, #tpu.memory_space<hbm>> -> memref<128xi32, #tpu.memory_space<hbm>>
      tpu.wait_dma2 semaphore(%arg19 : memref<!tpu.dma_semaphore, #tpu.memory_space<semaphore_mem>>) src(%dma_wait3A_112 : memref<128xi32, #tpu.memory_space<hbm>>) dst(%arg11 : memref<128xi32, #tpu.memory_space<vmem>>)
      %dma_wait3A_113 = arith.constant 0 : i32
      %dma_wait3A_114 = arith.constant 0 : i32
      %dma_wait3A_115 = tpu.memref_slice %arg3[%dma_wait3A_113, %dma_wait3A_114] : memref<2x320000xi32, #tpu.memory_space<hbm>> -> memref<1x128xi32, #tpu.memory_space<hbm>>
      %dma_wait3A_116 = tpu.memref_squeeze %dma_wait3A_115 : memref<1x128xi32, #tpu.memory_space<hbm>> -> memref<128xi32, #tpu.memory_space<hbm>>
      %dma_wait3A_117 = arith.constant 0 : i32
      %dma_wait3A_118 = tpu.memref_slice %arg3[%dma_wait3A_113, %dma_wait3A_117] : memref<2x320000xi32, #tpu.memory_space<hbm>> -> memref<1x128xi32, #tpu.memory_space<hbm>>
      %dma_wait3A_119 = tpu.memref_squeeze %dma_wait3A_118 : memref<1x128xi32, #tpu.memory_space<hbm>> -> memref<128xi32, #tpu.memory_space<hbm>>
      tpu.wait_dma2 semaphore(%arg19 : memref<!tpu.dma_semaphore, #tpu.memory_space<semaphore_mem>>) src(%dma_wait3A_119 : memref<128xi32, #tpu.memory_space<hbm>>) dst(%arg13 : memref<128xi32, #tpu.memory_space<vmem>>)
      %dma_wait3A_120 = arith.constant 0 : i32
      %dma_wait3A_121 = arith.constant 0 : i32
      %dma_wait3A_122 = tpu.memref_slice %arg4[%dma_wait3A_120, %dma_wait3A_121] : memref<320000x16xf32, #tpu.memory_space<hbm>> -> memref<128x16xf32, #tpu.memory_space<hbm>>
      %dma_wait3A_123 = arith.constant 0 : i32
      %dma_wait3A_124 = arith.constant 0 : i32
      %dma_wait3A_125 = tpu.memref_slice %arg4[%dma_wait3A_123, %dma_wait3A_124] : memref<320000x16xf32, #tpu.memory_space<hbm>> -> memref<128x16xf32, #tpu.memory_space<hbm>>
      tpu.wait_dma2 semaphore(%arg19 : memref<!tpu.dma_semaphore, #tpu.memory_space<semaphore_mem>>) src(%dma_wait3A_125 : memref<128x16xf32, #tpu.memory_space<hbm>>) dst(%arg17 : memref<128x16xf32, #tpu.memory_space<vmem>>)
      %dma_start3A_126 = arith.constant 0 : i32
      %dma_start3A_127 = arith.constant 0 : i32
      %dma_start3A_128 = tpu.memref_slice %arg2[%dma_start3A_126, %dma_start3A_127] : memref<10000x128xf32, #tpu.memory_space<hbm>> -> memref<10000x128xf32, #tpu.memory_space<hbm>>
      tpu.enqueue_indirect_dma source(%dma_start3A_128 : memref<10000x128xf32, #tpu.memory_space<hbm>>) target(%arg15 : memref<128x128xf32, #tpu.memory_space<vmem>>) offsets(%arg11 : memref<128xi32, #tpu.memory_space<vmem>>) semaphore(%arg21 : memref<!tpu.dma_semaphore, #tpu.memory_space<semaphore_mem>>)
      %gt3A = arith.constant 0 : i32
      %gt3A_129 = arith.cmpi sgt, %add3A_101, %gt3A : i32
      %convert_element_type3A_130 = arith.extui %gt3A_129 : i1 to i32
      %cond3A_131 = arith.constant 0 : i32
      %cond3A_132 = arith.cmpi ne, %convert_element_type3A_130, %cond3A_131 : i32
      scf.if %cond3A_132 {
        %dma_wait3A_210 = arith.constant 0 : i32
        %dma_wait3A_211 = arith.constant 0 : i32
        %dma_wait3A_212 = tpu.memref_slice %arg8[%dma_wait3A_210, %dma_wait3A_211] : memref<10112x128xf32, #tpu.memory_space<vmem_shared>> -> memref<10112x128xf32, #tpu.memory_space<vmem_shared>>
        tpu.wait_indirect_dma semaphore(%arg24 : memref<!tpu.dma_semaphore, #tpu.memory_space<semaphore_mem>>) src(%arg16 : memref<128x128xf32, #tpu.memory_space<vmem>>) dst(%dma_wait3A_212 : memref<10112x128xf32, #tpu.memory_space<vmem_shared>>)
        %dma_wait3A_213 = arith.constant 0 : i32
        %dma_wait3A_214 = arith.constant 0 : i32
        %dma_wait3A_215 = tpu.memref_slice %arg9[%dma_wait3A_213, %dma_wait3A_214] : memref<10112x16xf32, #tpu.memory_space<vmem_shared>> -> memref<10112x16xf32, #tpu.memory_space<vmem_shared>>
        tpu.wait_indirect_dma semaphore(%arg24 : memref<!tpu.dma_semaphore, #tpu.memory_space<semaphore_mem>>) src(%arg18 : memref<128x16xf32, #tpu.memory_space<vmem>>) dst(%dma_wait3A_215 : memref<10112x16xf32, #tpu.memory_space<vmem_shared>>)
      } else {
      }
      %add3A_133 = arith.constant 1 : i32
      %add3A_134 = arith.addi %add3A_105, %add3A_133 : i32
      %add3A_135 = arith.addi %mul3A_47, %add3A_134 : i32
      %mul3A_136 = arith.constant 128 : i32
      %mul3A_137 = arith.muli %add3A_135, %mul3A_136 : i32
      %dma_start3A_138 = arith.constant 1 : i32
      %dma_start3A_139 = tpu.memref_slice %arg3[%dma_start3A_138, %mul3A_137] : memref<2x320000xi32, #tpu.memory_space<hbm>> -> memref<1x128xi32, #tpu.memory_space<hbm>>
      %dma_start3A_140 = tpu.memref_squeeze %dma_start3A_139 : memref<1x128xi32, #tpu.memory_space<hbm>> -> memref<128xi32, #tpu.memory_space<hbm>>
      %dma_start3A_141 = tpu.memref_slice %arg3[%dma_start3A_138, %mul3A_137] : memref<2x320000xi32, #tpu.memory_space<hbm>> -> memref<1x128xi32, #tpu.memory_space<hbm>>
      %dma_start3A_142 = tpu.memref_squeeze %dma_start3A_141 : memref<1x128xi32, #tpu.memory_space<hbm>> -> memref<128xi32, #tpu.memory_space<hbm>>
      tpu.enqueue_dma source(%dma_start3A_142 : memref<128xi32, #tpu.memory_space<hbm>>) target(%arg12 : memref<128xi32, #tpu.memory_space<vmem>>) target_semaphore(%arg20 : memref<!tpu.dma_semaphore, #tpu.memory_space<semaphore_mem>>)
      %dma_start3A_143 = arith.constant 0 : i32
      %dma_start3A_144 = tpu.memref_slice %arg3[%dma_start3A_143, %mul3A_137] : memref<2x320000xi32, #tpu.memory_space<hbm>> -> memref<1x128xi32, #tpu.memory_space<hbm>>
      %dma_start3A_145 = tpu.memref_squeeze %dma_start3A_144 : memref<1x128xi32, #tpu.memory_space<hbm>> -> memref<128xi32, #tpu.memory_space<hbm>>
      %dma_start3A_146 = tpu.memref_slice %arg3[%dma_start3A_143, %mul3A_137] : memref<2x320000xi32, #tpu.memory_space<hbm>> -> memref<1x128xi32, #tpu.memory_space<hbm>>
      %dma_start3A_147 = tpu.memref_squeeze %dma_start3A_146 : memref<1x128xi32, #tpu.memory_space<hbm>> -> memref<128xi32, #tpu.memory_space<hbm>>
      tpu.enqueue_dma source(%dma_start3A_147 : memref<128xi32, #tpu.memory_space<hbm>>) target(%arg14 : memref<128xi32, #tpu.memory_space<vmem>>) target_semaphore(%arg20 : memref<!tpu.dma_semaphore, #tpu.memory_space<semaphore_mem>>)
      %dma_start3A_148 = arith.constant 0 : i32
      %dma_start3A_149 = tpu.memref_slice %arg4[%mul3A_137, %dma_start3A_148] : memref<320000x16xf32, #tpu.memory_space<hbm>> -> memref<128x16xf32, #tpu.memory_space<hbm>>
      %dma_start3A_150 = arith.constant 0 : i32
      %dma_start3A_151 = tpu.memref_slice %arg4[%mul3A_137, %dma_start3A_150] : memref<320000x16xf32, #tpu.memory_space<hbm>> -> memref<128x16xf32, #tpu.memory_space<hbm>>
      tpu.enqueue_dma source(%dma_start3A_151 : memref<128x16xf32, #tpu.memory_space<hbm>>) target(%arg18 : memref<128x16xf32, #tpu.memory_space<vmem>>) target_semaphore(%arg20 : memref<!tpu.dma_semaphore, #tpu.memory_space<semaphore_mem>>)
      %dma_wait3A_152 = arith.constant 0 : i32
      %dma_wait3A_153 = arith.constant 0 : i32
      %dma_wait3A_154 = tpu.memref_slice %arg2[%dma_wait3A_152, %dma_wait3A_153] : memref<10000x128xf32, #tpu.memory_space<hbm>> -> memref<10000x128xf32, #tpu.memory_space<hbm>>
      tpu.wait_indirect_dma semaphore(%arg21 : memref<!tpu.dma_semaphore, #tpu.memory_space<semaphore_mem>>) src(%dma_wait3A_154 : memref<10000x128xf32, #tpu.memory_space<hbm>>) dst(%arg15 : memref<128x128xf32, #tpu.memory_space<vmem>>)
      %dma_start3A_155 = arith.constant 0 : i32
      %dma_start3A_156 = arith.constant 0 : i32
      %dma_start3A_157 = tpu.memref_slice %arg8[%dma_start3A_155, %dma_start3A_156] : memref<10112x128xf32, #tpu.memory_space<vmem_shared>> -> memref<10112x128xf32, #tpu.memory_space<vmem_shared>>
      tpu.enqueue_indirect_dma source(%arg15 : memref<128x128xf32, #tpu.memory_space<vmem>>) target(%dma_start3A_157 : memref<10112x128xf32, #tpu.memory_space<vmem_shared>>) offsets(%arg13 : memref<128xi32, #tpu.memory_space<vmem>>) semaphore(%arg23 : memref<!tpu.dma_semaphore, #tpu.memory_space<semaphore_mem>>) {add = true}
      %dma_start3A_158 = arith.constant 0 : i32
      %dma_start3A_159 = arith.constant 0 : i32
      %dma_start3A_160 = tpu.memref_slice %arg9[%dma_start3A_158, %dma_start3A_159] : memref<10112x16xf32, #tpu.memory_space<vmem_shared>> -> memref<10112x16xf32, #tpu.memory_space<vmem_shared>>
      tpu.enqueue_indirect_dma source(%arg17 : memref<128x16xf32, #tpu.memory_space<vmem>>) target(%dma_start3A_160 : memref<10112x16xf32, #tpu.memory_space<vmem_shared>>) offsets(%arg13 : memref<128xi32, #tpu.memory_space<vmem>>) semaphore(%arg23 : memref<!tpu.dma_semaphore, #tpu.memory_space<semaphore_mem>>) {add = true}
      %mul3A_161 = arith.constant 2 : i32
      %mul3A_162 = arith.muli %mul3A_161, %add3A_101 : i32
      %add3A_163 = arith.constant 1 : i32
      %add3A_164 = arith.addi %mul3A_162, %add3A_163 : i32
      %dma_wait3A_165 = arith.constant 1 : i32
      %dma_wait3A_166 = arith.constant 0 : i32
      %dma_wait3A_167 = tpu.memref_slice %arg3[%dma_wait3A_165, %dma_wait3A_166] : memref<2x320000xi32, #tpu.memory_space<hbm>> -> memref<1x128xi32, #tpu.memory_space<hbm>>
      %dma_wait3A_168 = tpu.memref_squeeze %dma_wait3A_167 : memref<1x128xi32, #tpu.memory_space<hbm>> -> memref<128xi32, #tpu.memory_space<hbm>>
      %dma_wait3A_169 = arith.constant 0 : i32
      %dma_wait3A_170 = tpu.memref_slice %arg3[%dma_wait3A_165, %dma_wait3A_169] : memref<2x320000xi32, #tpu.memory_space<hbm>> -> memref<1x128xi32, #tpu.memory_space<hbm>>
      %dma_wait3A_171 = tpu.memref_squeeze %dma_wait3A_170 : memref<1x128xi32, #tpu.memory_space<hbm>> -> memref<128xi32, #tpu.memory_space<hbm>>
      tpu.wait_dma2 semaphore(%arg20 : memref<!tpu.dma_semaphore, #tpu.memory_space<semaphore_mem>>) src(%dma_wait3A_171 : memref<128xi32, #tpu.memory_space<hbm>>) dst(%arg12 : memref<128xi32, #tpu.memory_space<vmem>>)
      %dma_wait3A_172 = arith.constant 0 : i32
      %dma_wait3A_173 = arith.constant 0 : i32
      %dma_wait3A_174 = tpu.memref_slice %arg3[%dma_wait3A_172, %dma_wait3A_173] : memref<2x320000xi32, #tpu.memory_space<hbm>> -> memref<1x128xi32, #tpu.memory_space<hbm>>
      %dma_wait3A_175 = tpu.memref_squeeze %dma_wait3A_174 : memref<1x128xi32, #tpu.memory_space<hbm>> -> memref<128xi32, #tpu.memory_space<hbm>>
      %dma_wait3A_176 = arith.constant 0 : i32
      %dma_wait3A_177 = tpu.memref_slice %arg3[%dma_wait3A_172, %dma_wait3A_176] : memref<2x320000xi32, #tpu.memory_space<hbm>> -> memref<1x128xi32, #tpu.memory_space<hbm>>
      %dma_wait3A_178 = tpu.memref_squeeze %dma_wait3A_177 : memref<1x128xi32, #tpu.memory_space<hbm>> -> memref<128xi32, #tpu.memory_space<hbm>>
      tpu.wait_dma2 semaphore(%arg20 : memref<!tpu.dma_semaphore, #tpu.memory_space<semaphore_mem>>) src(%dma_wait3A_178 : memref<128xi32, #tpu.memory_space<hbm>>) dst(%arg14 : memref<128xi32, #tpu.memory_space<vmem>>)
      %dma_wait3A_179 = arith.constant 0 : i32
      %dma_wait3A_180 = arith.constant 0 : i32
      %dma_wait3A_181 = tpu.memref_slice %arg4[%dma_wait3A_179, %dma_wait3A_180] : memref<320000x16xf32, #tpu.memory_space<hbm>> -> memref<128x16xf32, #tpu.memory_space<hbm>>
      %dma_wait3A_182 = arith.constant 0 : i32
      %dma_wait3A_183 = arith.constant 0 : i32
      %dma_wait3A_184 = tpu.memref_slice %arg4[%dma_wait3A_182, %dma_wait3A_183] : memref<320000x16xf32, #tpu.memory_space<hbm>> -> memref<128x16xf32, #tpu.memory_space<hbm>>
      tpu.wait_dma2 semaphore(%arg20 : memref<!tpu.dma_semaphore, #tpu.memory_space<semaphore_mem>>) src(%dma_wait3A_184 : memref<128x16xf32, #tpu.memory_space<hbm>>) dst(%arg18 : memref<128x16xf32, #tpu.memory_space<vmem>>)
      %dma_start3A_185 = arith.constant 0 : i32
      %dma_start3A_186 = arith.constant 0 : i32
      %dma_start3A_187 = tpu.memref_slice %arg2[%dma_start3A_185, %dma_start3A_186] : memref<10000x128xf32, #tpu.memory_space<hbm>> -> memref<10000x128xf32, #tpu.memory_space<hbm>>
      tpu.enqueue_indirect_dma source(%dma_start3A_187 : memref<10000x128xf32, #tpu.memory_space<hbm>>) target(%arg16 : memref<128x128xf32, #tpu.memory_space<vmem>>) offsets(%arg12 : memref<128xi32, #tpu.memory_space<vmem>>) semaphore(%arg22 : memref<!tpu.dma_semaphore, #tpu.memory_space<semaphore_mem>>)
      %dma_wait3A_188 = arith.constant 0 : i32
      %dma_wait3A_189 = arith.constant 0 : i32
      %dma_wait3A_190 = tpu.memref_slice %arg8[%dma_wait3A_188, %dma_wait3A_189] : memref<10112x128xf32, #tpu.memory_space<vmem_shared>> -> memref<10112x128xf32, #tpu.memory_space<vmem_shared>>
      tpu.wait_indirect_dma semaphore(%arg23 : memref<!tpu.dma_semaphore, #tpu.memory_space<semaphore_mem>>) src(%arg15 : memref<128x128xf32, #tpu.memory_space<vmem>>) dst(%dma_wait3A_190 : memref<10112x128xf32, #tpu.memory_space<vmem_shared>>)
      %dma_wait3A_191 = arith.constant 0 : i32
      %dma_wait3A_192 = arith.constant 0 : i32
      %dma_wait3A_193 = tpu.memref_slice %arg9[%dma_wait3A_191, %dma_wait3A_192] : memref<10112x16xf32, #tpu.memory_space<vmem_shared>> -> memref<10112x16xf32, #tpu.memory_space<vmem_shared>>
      tpu.wait_indirect_dma semaphore(%arg23 : memref<!tpu.dma_semaphore, #tpu.memory_space<semaphore_mem>>) src(%arg17 : memref<128x16xf32, #tpu.memory_space<vmem>>) dst(%dma_wait3A_193 : memref<10112x16xf32, #tpu.memory_space<vmem_shared>>)
      %add3A_194 = arith.constant 1 : i32
      %add3A_195 = arith.addi %add3A_164, %add3A_194 : i32
      %lt3A_196 = arith.constant 78 : i32
      %lt3A_197 = arith.cmpi slt, %add3A_195, %lt3A_196 : i32
      %convert_element_type3A_198 = arith.extui %lt3A_197 : i1 to i32
      %cond3A_199 = arith.constant 0 : i32
      %cond3A_200 = arith.cmpi ne, %convert_element_type3A_198, %cond3A_199 : i32
      scf.if %cond3A_200 {
        %add3A_210 = arith.constant 1 : i32
        %add3A_211 = arith.addi %add3A_164, %add3A_210 : i32
        %add3A_212 = arith.addi %mul3A_47, %add3A_211 : i32
        %mul3A_213 = arith.constant 128 : i32
        %mul3A_214 = arith.muli %add3A_212, %mul3A_213 : i32
        %dma_start3A_215 = arith.constant 1 : i32
        %dma_start3A_216 = tpu.memref_slice %arg3[%dma_start3A_215, %mul3A_214] : memref<2x320000xi32, #tpu.memory_space<hbm>> -> memref<1x128xi32, #tpu.memory_space<hbm>>
        %dma_start3A_217 = tpu.memref_squeeze %dma_start3A_216 : memref<1x128xi32, #tpu.memory_space<hbm>> -> memref<128xi32, #tpu.memory_space<hbm>>
        %dma_start3A_218 = tpu.memref_slice %arg3[%dma_start3A_215, %mul3A_214] : memref<2x320000xi32, #tpu.memory_space<hbm>> -> memref<1x128xi32, #tpu.memory_space<hbm>>
        %dma_start3A_219 = tpu.memref_squeeze %dma_start3A_218 : memref<1x128xi32, #tpu.memory_space<hbm>> -> memref<128xi32, #tpu.memory_space<hbm>>
        tpu.enqueue_dma source(%dma_start3A_219 : memref<128xi32, #tpu.memory_space<hbm>>) target(%arg11 : memref<128xi32, #tpu.memory_space<vmem>>) target_semaphore(%arg19 : memref<!tpu.dma_semaphore, #tpu.memory_space<semaphore_mem>>)
        %dma_start3A_220 = arith.constant 0 : i32
        %dma_start3A_221 = tpu.memref_slice %arg3[%dma_start3A_220, %mul3A_214] : memref<2x320000xi32, #tpu.memory_space<hbm>> -> memref<1x128xi32, #tpu.memory_space<hbm>>
        %dma_start3A_222 = tpu.memref_squeeze %dma_start3A_221 : memref<1x128xi32, #tpu.memory_space<hbm>> -> memref<128xi32, #tpu.memory_space<hbm>>
        %dma_start3A_223 = tpu.memref_slice %arg3[%dma_start3A_220, %mul3A_214] : memref<2x320000xi32, #tpu.memory_space<hbm>> -> memref<1x128xi32, #tpu.memory_space<hbm>>
        %dma_start3A_224 = tpu.memref_squeeze %dma_start3A_223 : memref<1x128xi32, #tpu.memory_space<hbm>> -> memref<128xi32, #tpu.memory_space<hbm>>
        tpu.enqueue_dma source(%dma_start3A_224 : memref<128xi32, #tpu.memory_space<hbm>>) target(%arg13 : memref<128xi32, #tpu.memory_space<vmem>>) target_semaphore(%arg19 : memref<!tpu.dma_semaphore, #tpu.memory_space<semaphore_mem>>)
        %dma_start3A_225 = arith.constant 0 : i32
        %dma_start3A_226 = tpu.memref_slice %arg4[%mul3A_214, %dma_start3A_225] : memref<320000x16xf32, #tpu.memory_space<hbm>> -> memref<128x16xf32, #tpu.memory_space<hbm>>
        %dma_start3A_227 = arith.constant 0 : i32
        %dma_start3A_228 = tpu.memref_slice %arg4[%mul3A_214, %dma_start3A_227] : memref<320000x16xf32, #tpu.memory_space<hbm>> -> memref<128x16xf32, #tpu.memory_space<hbm>>
        tpu.enqueue_dma source(%dma_start3A_228 : memref<128x16xf32, #tpu.memory_space<hbm>>) target(%arg17 : memref<128x16xf32, #tpu.memory_space<vmem>>) target_semaphore(%arg19 : memref<!tpu.dma_semaphore, #tpu.memory_space<semaphore_mem>>)
      } else {
      }
      %dma_wait3A_201 = arith.constant 0 : i32
      %dma_wait3A_202 = arith.constant 0 : i32
      %dma_wait3A_203 = tpu.memref_slice %arg2[%dma_wait3A_201, %dma_wait3A_202] : memref<10000x128xf32, #tpu.memory_space<hbm>> -> memref<10000x128xf32, #tpu.memory_space<hbm>>
      tpu.wait_indirect_dma semaphore(%arg22 : memref<!tpu.dma_semaphore, #tpu.memory_space<semaphore_mem>>) src(%dma_wait3A_203 : memref<10000x128xf32, #tpu.memory_space<hbm>>) dst(%arg16 : memref<128x128xf32, #tpu.memory_space<vmem>>)
      %dma_start3A_204 = arith.constant 0 : i32
      %dma_start3A_205 = arith.constant 0 : i32
      %dma_start3A_206 = tpu.memref_slice %arg8[%dma_start3A_204, %dma_start3A_205] : memref<10112x128xf32, #tpu.memory_space<vmem_shared>> -> memref<10112x128xf32, #tpu.memory_space<vmem_shared>>
      tpu.enqueue_indirect_dma source(%arg16 : memref<128x128xf32, #tpu.memory_space<vmem>>) target(%dma_start3A_206 : memref<10112x128xf32, #tpu.memory_space<vmem_shared>>) offsets(%arg14 : memref<128xi32, #tpu.memory_space<vmem>>) semaphore(%arg24 : memref<!tpu.dma_semaphore, #tpu.memory_space<semaphore_mem>>) {add = true}
      %dma_start3A_207 = arith.constant 0 : i32
      %dma_start3A_208 = arith.constant 0 : i32
      %dma_start3A_209 = tpu.memref_slice %arg9[%dma_start3A_207, %dma_start3A_208] : memref<10112x16xf32, #tpu.memory_space<vmem_shared>> -> memref<10112x16xf32, #tpu.memory_space<vmem_shared>>
      tpu.enqueue_indirect_dma source(%arg18 : memref<128x16xf32, #tpu.memory_space<vmem>>) target(%dma_start3A_209 : memref<10112x16xf32, #tpu.memory_space<vmem_shared>>) offsets(%arg14 : memref<128xi32, #tpu.memory_space<vmem>>) semaphore(%arg24 : memref<!tpu.dma_semaphore, #tpu.memory_space<semaphore_mem>>) {add = true}
    }
    %scan3A_69 = arith.constant 39 : i32
    %dma_wait3A = arith.constant 0 : i32
    %dma_wait3A_70 = arith.constant 0 : i32
    %dma_wait3A_71 = tpu.memref_slice %arg8[%dma_wait3A, %dma_wait3A_70] : memref<10112x128xf32, #tpu.memory_space<vmem_shared>> -> memref<10112x128xf32, #tpu.memory_space<vmem_shared>>
    tpu.wait_indirect_dma semaphore(%arg24 : memref<!tpu.dma_semaphore, #tpu.memory_space<semaphore_mem>>) src(%arg16 : memref<128x128xf32, #tpu.memory_space<vmem>>) dst(%dma_wait3A_71 : memref<10112x128xf32, #tpu.memory_space<vmem_shared>>)
    %dma_wait3A_72 = arith.constant 0 : i32
    %dma_wait3A_73 = arith.constant 0 : i32
    %dma_wait3A_74 = tpu.memref_slice %arg9[%dma_wait3A_72, %dma_wait3A_73] : memref<10112x16xf32, #tpu.memory_space<vmem_shared>> -> memref<10112x16xf32, #tpu.memory_space<vmem_shared>>
    tpu.wait_indirect_dma semaphore(%arg24 : memref<!tpu.dma_semaphore, #tpu.memory_space<semaphore_mem>>) src(%arg18 : memref<128x16xf32, #tpu.memory_space<vmem>>) dst(%dma_wait3A_74 : memref<10112x16xf32, #tpu.memory_space<vmem_shared>>)
    %lt3A = arith.constant 4 : i32
    %lt3A_75 = arith.cmpi slt, %add3A, %lt3A : i32
    %convert_element_type3A = arith.extui %lt3A_75 : i1 to i32
    %cond3A = arith.constant 0 : i32
    %cond3A_76 = arith.cmpi ne, %convert_element_type3A, %cond3A : i32
    scf.if %cond3A_76 {
      %add3A_97 = arith.constant 2496 : i32
      %add3A_98 = arith.addi %add3A_97, %add3A : i32
      %mul3A_99 = arith.constant 128 : i32
      %mul3A_100 = arith.muli %add3A_98, %mul3A_99 : i32
      %run_scoped3A = arith.constant 1 : i32
      "tpu.region"() ({
        %run_scoped3A_102 = tpu.sem_alloc : memref<!tpu.dma_semaphore, #tpu.memory_space<semaphore_mem>>
        %dma_start3A_103 = tpu.memref_slice %arg3[%run_scoped3A, %mul3A_100] : memref<2x320000xi32, #tpu.memory_space<hbm>> -> memref<1x128xi32, #tpu.memory_space<hbm>>
        %dma_start3A_104 = tpu.memref_squeeze %dma_start3A_103 : memref<1x128xi32, #tpu.memory_space<hbm>> -> memref<128xi32, #tpu.memory_space<hbm>>
        %dma_start3A_105 = tpu.memref_slice %arg3[%run_scoped3A, %mul3A_100] : memref<2x320000xi32, #tpu.memory_space<hbm>> -> memref<1x128xi32, #tpu.memory_space<hbm>>
        %dma_start3A_106 = tpu.memref_squeeze %dma_start3A_105 : memref<1x128xi32, #tpu.memory_space<hbm>> -> memref<128xi32, #tpu.memory_space<hbm>>
        tpu.enqueue_dma source(%dma_start3A_106 : memref<128xi32, #tpu.memory_space<hbm>>) target(%arg11 : memref<128xi32, #tpu.memory_space<vmem>>) target_semaphore(%run_scoped3A_102 : memref<!tpu.dma_semaphore, #tpu.memory_space<semaphore_mem>>)
        %dma_wait3A_107 = tpu.memref_slice %arg3[%run_scoped3A, %mul3A_100] : memref<2x320000xi32, #tpu.memory_space<hbm>> -> memref<1x128xi32, #tpu.memory_space<hbm>>
        %dma_wait3A_108 = tpu.memref_squeeze %dma_wait3A_107 : memref<1x128xi32, #tpu.memory_space<hbm>> -> memref<128xi32, #tpu.memory_space<hbm>>
        %dma_wait3A_109 = tpu.memref_slice %arg3[%run_scoped3A, %mul3A_100] : memref<2x320000xi32, #tpu.memory_space<hbm>> -> memref<1x128xi32, #tpu.memory_space<hbm>>
        %dma_wait3A_110 = tpu.memref_squeeze %dma_wait3A_109 : memref<1x128xi32, #tpu.memory_space<hbm>> -> memref<128xi32, #tpu.memory_space<hbm>>
        tpu.wait_dma2 semaphore(%run_scoped3A_102 : memref<!tpu.dma_semaphore, #tpu.memory_space<semaphore_mem>>) src(%dma_wait3A_110 : memref<128xi32, #tpu.memory_space<hbm>>) dst(%arg11 : memref<128xi32, #tpu.memory_space<vmem>>)
        tpu.yield
      }) : () -> ()
      %run_scoped3A_101 = arith.constant 0 : i32
      "tpu.region"() ({
        %run_scoped3A_102 = tpu.sem_alloc : memref<!tpu.dma_semaphore, #tpu.memory_space<semaphore_mem>>
        %dma_start3A_103 = tpu.memref_slice %arg3[%run_scoped3A_101, %mul3A_100] : memref<2x320000xi32, #tpu.memory_space<hbm>> -> memref<1x128xi32, #tpu.memory_space<hbm>>
        %dma_start3A_104 = tpu.memref_squeeze %dma_start3A_103 : memref<1x128xi32, #tpu.memory_space<hbm>> -> memref<128xi32, #tpu.memory_space<hbm>>
        %dma_start3A_105 = tpu.memref_slice %arg3[%run_scoped3A_101, %mul3A_100] : memref<2x320000xi32, #tpu.memory_space<hbm>> -> memref<1x128xi32, #tpu.memory_space<hbm>>
        %dma_start3A_106 = tpu.memref_squeeze %dma_start3A_105 : memref<1x128xi32, #tpu.memory_space<hbm>> -> memref<128xi32, #tpu.memory_space<hbm>>
        tpu.enqueue_dma source(%dma_start3A_106 : memref<128xi32, #tpu.memory_space<hbm>>) target(%arg13 : memref<128xi32, #tpu.memory_space<vmem>>) target_semaphore(%run_scoped3A_102 : memref<!tpu.dma_semaphore, #tpu.memory_space<semaphore_mem>>)
        %dma_wait3A_107 = tpu.memref_slice %arg3[%run_scoped3A_101, %mul3A_100] : memref<2x320000xi32, #tpu.memory_space<hbm>> -> memref<1x128xi32, #tpu.memory_space<hbm>>
        %dma_wait3A_108 = tpu.memref_squeeze %dma_wait3A_107 : memref<1x128xi32, #tpu.memory_space<hbm>> -> memref<128xi32, #tpu.memory_space<hbm>>
        %dma_wait3A_109 = tpu.memref_slice %arg3[%run_scoped3A_101, %mul3A_100] : memref<2x320000xi32, #tpu.memory_space<hbm>> -> memref<1x128xi32, #tpu.memory_space<hbm>>
        %dma_wait3A_110 = tpu.memref_squeeze %dma_wait3A_109 : memref<1x128xi32, #tpu.memory_space<hbm>> -> memref<128xi32, #tpu.memory_space<hbm>>
        tpu.wait_dma2 semaphore(%run_scoped3A_102 : memref<!tpu.dma_semaphore, #tpu.memory_space<semaphore_mem>>) src(%dma_wait3A_110 : memref<128xi32, #tpu.memory_space<hbm>>) dst(%arg13 : memref<128xi32, #tpu.memory_space<vmem>>)
        tpu.yield
      }) : () -> ()
      "tpu.region"() ({
        %run_scoped3A_102 = tpu.sem_alloc : memref<!tpu.dma_semaphore, #tpu.memory_space<semaphore_mem>>
        %dma_start3A_103 = arith.constant 0 : i32
        %dma_start3A_104 = tpu.memref_slice %arg4[%mul3A_100, %dma_start3A_103] : memref<320000x16xf32, #tpu.memory_space<hbm>> -> memref<128x16xf32, #tpu.memory_space<hbm>>
        %dma_start3A_105 = arith.constant 0 : i32
        %dma_start3A_106 = tpu.memref_slice %arg4[%mul3A_100, %dma_start3A_105] : memref<320000x16xf32, #tpu.memory_space<hbm>> -> memref<128x16xf32, #tpu.memory_space<hbm>>
        tpu.enqueue_dma source(%dma_start3A_106 : memref<128x16xf32, #tpu.memory_space<hbm>>) target(%arg17 : memref<128x16xf32, #tpu.memory_space<vmem>>) target_semaphore(%run_scoped3A_102 : memref<!tpu.dma_semaphore, #tpu.memory_space<semaphore_mem>>)
        %dma_wait3A_107 = arith.constant 0 : i32
        %dma_wait3A_108 = tpu.memref_slice %arg4[%mul3A_100, %dma_wait3A_107] : memref<320000x16xf32, #tpu.memory_space<hbm>> -> memref<128x16xf32, #tpu.memory_space<hbm>>
        %dma_wait3A_109 = arith.constant 0 : i32
        %dma_wait3A_110 = tpu.memref_slice %arg4[%mul3A_100, %dma_wait3A_109] : memref<320000x16xf32, #tpu.memory_space<hbm>> -> memref<128x16xf32, #tpu.memory_space<hbm>>
        tpu.wait_dma2 semaphore(%run_scoped3A_102 : memref<!tpu.dma_semaphore, #tpu.memory_space<semaphore_mem>>) src(%dma_wait3A_110 : memref<128x16xf32, #tpu.memory_space<hbm>>) dst(%arg17 : memref<128x16xf32, #tpu.memory_space<vmem>>)
        tpu.yield
      }) : () -> ()
      "tpu.region"() ({
        %run_scoped3A_102 = tpu.sem_alloc : memref<!tpu.dma_semaphore, #tpu.memory_space<semaphore_mem>>
        %dma_start3A_103 = arith.constant 0 : i32
        %dma_start3A_104 = arith.constant 0 : i32
        %dma_start3A_105 = tpu.memref_slice %arg2[%dma_start3A_103, %dma_start3A_104] : memref<10000x128xf32, #tpu.memory_space<hbm>> -> memref<10000x128xf32, #tpu.memory_space<hbm>>
        tpu.enqueue_indirect_dma source(%dma_start3A_105 : memref<10000x128xf32, #tpu.memory_space<hbm>>) target(%arg15 : memref<128x128xf32, #tpu.memory_space<vmem>>) offsets(%arg11 : memref<128xi32, #tpu.memory_space<vmem>>) semaphore(%run_scoped3A_102 : memref<!tpu.dma_semaphore, #tpu.memory_space<semaphore_mem>>)
        %dma_wait3A_106 = arith.constant 0 : i32
        %dma_wait3A_107 = arith.constant 0 : i32
        %dma_wait3A_108 = tpu.memref_slice %arg2[%dma_wait3A_106, %dma_wait3A_107] : memref<10000x128xf32, #tpu.memory_space<hbm>> -> memref<10000x128xf32, #tpu.memory_space<hbm>>
        tpu.wait_indirect_dma semaphore(%run_scoped3A_102 : memref<!tpu.dma_semaphore, #tpu.memory_space<semaphore_mem>>) src(%dma_wait3A_108 : memref<10000x128xf32, #tpu.memory_space<hbm>>) dst(%arg15 : memref<128x128xf32, #tpu.memory_space<vmem>>)
        tpu.yield
      }) : () -> ()
      "tpu.region"() ({
        %run_scoped3A_102 = tpu.sem_alloc : memref<!tpu.dma_semaphore, #tpu.memory_space<semaphore_mem>>
        %dma_start3A_103 = arith.constant 0 : i32
        %dma_start3A_104 = arith.constant 0 : i32
        %dma_start3A_105 = tpu.memref_slice %arg8[%dma_start3A_103, %dma_start3A_104] : memref<10112x128xf32, #tpu.memory_space<vmem_shared>> -> memref<10112x128xf32, #tpu.memory_space<vmem_shared>>
        tpu.enqueue_indirect_dma source(%arg15 : memref<128x128xf32, #tpu.memory_space<vmem>>) target(%dma_start3A_105 : memref<10112x128xf32, #tpu.memory_space<vmem_shared>>) offsets(%arg13 : memref<128xi32, #tpu.memory_space<vmem>>) semaphore(%run_scoped3A_102 : memref<!tpu.dma_semaphore, #tpu.memory_space<semaphore_mem>>) {add = true}
        %dma_wait3A_106 = arith.constant 0 : i32
        %dma_wait3A_107 = arith.constant 0 : i32
        %dma_wait3A_108 = tpu.memref_slice %arg8[%dma_wait3A_106, %dma_wait3A_107] : memref<10112x128xf32, #tpu.memory_space<vmem_shared>> -> memref<10112x128xf32, #tpu.memory_space<vmem_shared>>
        tpu.wait_indirect_dma semaphore(%run_scoped3A_102 : memref<!tpu.dma_semaphore, #tpu.memory_space<semaphore_mem>>) src(%arg15 : memref<128x128xf32, #tpu.memory_space<vmem>>) dst(%dma_wait3A_108 : memref<10112x128xf32, #tpu.memory_space<vmem_shared>>)
        tpu.yield
      }) : () -> ()
      "tpu.region"() ({
        %run_scoped3A_102 = tpu.sem_alloc : memref<!tpu.dma_semaphore, #tpu.memory_space<semaphore_mem>>
        %dma_start3A_103 = arith.constant 0 : i32
        %dma_start3A_104 = arith.constant 0 : i32
        %dma_start3A_105 = tpu.memref_slice %arg9[%dma_start3A_103, %dma_start3A_104] : memref<10112x16xf32, #tpu.memory_space<vmem_shared>> -> memref<10112x16xf32, #tpu.memory_space<vmem_shared>>
        tpu.enqueue_indirect_dma source(%arg17 : memref<128x16xf32, #tpu.memory_space<vmem>>) target(%dma_start3A_105 : memref<10112x16xf32, #tpu.memory_space<vmem_shared>>) offsets(%arg13 : memref<128xi32, #tpu.memory_space<vmem>>) semaphore(%run_scoped3A_102 : memref<!tpu.dma_semaphore, #tpu.memory_space<semaphore_mem>>) {add = true}
        %dma_wait3A_106 = arith.constant 0 : i32
        %dma_wait3A_107 = arith.constant 0 : i32
        %dma_wait3A_108 = tpu.memref_slice %arg9[%dma_wait3A_106, %dma_wait3A_107] : memref<10112x16xf32, #tpu.memory_space<vmem_shared>> -> memref<10112x16xf32, #tpu.memory_space<vmem_shared>>
        tpu.wait_indirect_dma semaphore(%run_scoped3A_102 : memref<!tpu.dma_semaphore, #tpu.memory_space<semaphore_mem>>) src(%arg17 : memref<128x16xf32, #tpu.memory_space<vmem>>) dst(%dma_wait3A_108 : memref<10112x16xf32, #tpu.memory_space<vmem_shared>>)
        tpu.yield
      }) : () -> ()
    } else {
    }
    %barrier3A_77 = arith.constant 0 : index
    tpu.barrier barrier_id(%barrier3A_77)
    %sub3A_78 = arith.constant 0 : i32
    %sub3A_79 = arith.subi %select_n3A, %sub3A_78 : i32
    %sub3A_80 = arith.constant 1 : i32
    %sub3A_81 = arith.constant 1 : i32
    %sub3A_82 = arith.subi %sub3A_80, %sub3A_81 : i32
    %add3A_83 = arith.addi %sub3A_79, %sub3A_82 : i32
    %div3A_84 = arith.constant 1 : i32
    %div3A_85 = arith.divsi %add3A_83, %div3A_84 : i32
    %while3A_86 = arith.constant 1 : i32
    %while3A_87 = arith.constant 0 : i32
    %while3A_88 = arith.constant 0 : i32
    %while3A_89 = arith.subi %div3A_85, %while3A_88 : i32
    %while3A_90 = arith.addi %while3A_88, %while3A_89 : i32
    %while3A_91 = arith.constant 1 : i32
    %while3A_92 = arith.divsi %while3A_89, %while3A_91 : i32
    %while3A_93 = arith.muli %while3A_92, %while3A_91 : i32
    %while3A_94 = arith.addi %while3A_88, %while3A_93 : i32
    %while3A_95 = arith.constant 1 : i32
    scf.for %while3A_97 = %while3A_88 to %while3A_94 step %while3A_95  : i32 {
      %mul3A_98 = arith.muli %while3A_97, %while3A_86 : i32
      %add3A_99 = arith.addi %while3A_87, %mul3A_98 : i32
      %mul3A_100 = arith.constant 16 : i32
      %mul3A_101 = arith.muli %add3A_99, %mul3A_100 : i32
      %add3A_102 = arith.addi %arg1, %mul3A_101 : i32
      %mul3A_103 = arith.constant 128 : i32
      %mul3A_104 = arith.muli %add3A_102, %mul3A_103 : i32
      "tpu.region"() ({
        %run_scoped3A = tpu.sem_alloc : memref<!tpu.dma_semaphore, #tpu.memory_space<semaphore_mem>>
        %dma_start3A_105 = tpu.memref_slice %arg5[%mul3A_104] : memref<10112xi32, #tpu.memory_space<hbm>> -> memref<128xi32, #tpu.memory_space<hbm>>
        %dma_start3A_106 = tpu.memref_slice %arg5[%mul3A_104] : memref<10112xi32, #tpu.memory_space<hbm>> -> memref<128xi32, #tpu.memory_space<hbm>>
        tpu.enqueue_dma source(%dma_start3A_106 : memref<128xi32, #tpu.memory_space<hbm>>) target(%arg10 : memref<128xi32, #tpu.memory_space<vmem>>) target_semaphore(%run_scoped3A : memref<!tpu.dma_semaphore, #tpu.memory_space<semaphore_mem>>)
        %dma_wait3A_107 = tpu.memref_slice %arg5[%mul3A_104] : memref<10112xi32, #tpu.memory_space<hbm>> -> memref<128xi32, #tpu.memory_space<hbm>>
        %dma_wait3A_108 = tpu.memref_slice %arg5[%mul3A_104] : memref<10112xi32, #tpu.memory_space<hbm>> -> memref<128xi32, #tpu.memory_space<hbm>>
        tpu.wait_dma2 semaphore(%run_scoped3A : memref<!tpu.dma_semaphore, #tpu.memory_space<semaphore_mem>>) src(%dma_wait3A_108 : memref<128xi32, #tpu.memory_space<hbm>>) dst(%arg10 : memref<128xi32, #tpu.memory_space<vmem>>)
        tpu.yield
      }) : () -> ()
      "tpu.region"() ({
        %run_scoped3A = tpu.sem_alloc : memref<!tpu.dma_semaphore, #tpu.memory_space<semaphore_mem>>
        %dma_start3A_105 = arith.constant 0 : i32
        %dma_start3A_106 = arith.constant 0 : i32
        %dma_start3A_107 = tpu.memref_slice %arg8[%dma_start3A_105, %dma_start3A_106] : memref<10112x128xf32, #tpu.memory_space<vmem_shared>> -> memref<10112x128xf32, #tpu.memory_space<vmem_shared>>
        tpu.enqueue_indirect_dma source(%dma_start3A_107 : memref<10112x128xf32, #tpu.memory_space<vmem_shared>>) target(%arg15 : memref<128x128xf32, #tpu.memory_space<vmem>>) offsets(%arg10 : memref<128xi32, #tpu.memory_space<vmem>>) semaphore(%run_scoped3A : memref<!tpu.dma_semaphore, #tpu.memory_space<semaphore_mem>>)
        %dma_wait3A_108 = arith.constant 0 : i32
        %dma_wait3A_109 = arith.constant 0 : i32
        %dma_wait3A_110 = tpu.memref_slice %arg8[%dma_wait3A_108, %dma_wait3A_109] : memref<10112x128xf32, #tpu.memory_space<vmem_shared>> -> memref<10112x128xf32, #tpu.memory_space<vmem_shared>>
        tpu.wait_indirect_dma semaphore(%run_scoped3A : memref<!tpu.dma_semaphore, #tpu.memory_space<semaphore_mem>>) src(%dma_wait3A_110 : memref<10112x128xf32, #tpu.memory_space<vmem_shared>>) dst(%arg15 : memref<128x128xf32, #tpu.memory_space<vmem>>)
        tpu.yield
      }) : () -> ()
      "tpu.region"() ({
        %run_scoped3A = tpu.sem_alloc : memref<!tpu.dma_semaphore, #tpu.memory_space<semaphore_mem>>
        %dma_start3A_105 = arith.constant 0 : i32
        %dma_start3A_106 = arith.constant 0 : i32
        %dma_start3A_107 = tpu.memref_slice %arg9[%dma_start3A_105, %dma_start3A_106] : memref<10112x16xf32, #tpu.memory_space<vmem_shared>> -> memref<10112x16xf32, #tpu.memory_space<vmem_shared>>
        tpu.enqueue_indirect_dma source(%dma_start3A_107 : memref<10112x16xf32, #tpu.memory_space<vmem_shared>>) target(%arg17 : memref<128x16xf32, #tpu.memory_space<vmem>>) offsets(%arg10 : memref<128xi32, #tpu.memory_space<vmem>>) semaphore(%run_scoped3A : memref<!tpu.dma_semaphore, #tpu.memory_space<semaphore_mem>>)
        %dma_wait3A_108 = arith.constant 0 : i32
        %dma_wait3A_109 = arith.constant 0 : i32
        %dma_wait3A_110 = tpu.memref_slice %arg9[%dma_wait3A_108, %dma_wait3A_109] : memref<10112x16xf32, #tpu.memory_space<vmem_shared>> -> memref<10112x16xf32, #tpu.memory_space<vmem_shared>>
        tpu.wait_indirect_dma semaphore(%run_scoped3A : memref<!tpu.dma_semaphore, #tpu.memory_space<semaphore_mem>>) src(%dma_wait3A_110 : memref<10112x16xf32, #tpu.memory_space<vmem_shared>>) dst(%arg17 : memref<128x16xf32, #tpu.memory_space<vmem>>)
        tpu.yield
      }) : () -> ()
      "tpu.region"() ({
        %run_scoped3A = tpu.sem_alloc : memref<!tpu.dma_semaphore, #tpu.memory_space<semaphore_mem>>
        %dma_start3A_105 = arith.constant 0 : i32
        %dma_start3A_106 = tpu.memref_slice %arg6[%arg0, %mul3A_104, %dma_start3A_105] : memref<2x10112x128xf32, #tpu.memory_space<hbm>> -> memref<1x128x128xf32, #tpu.memory_space<hbm>>
        %dma_start3A_107 = tpu.memref_squeeze %dma_start3A_106 : memref<1x128x128xf32, #tpu.memory_space<hbm>> -> memref<128x128xf32, #tpu.memory_space<hbm>>
        %dma_start3A_108 = arith.constant 0 : i32
        %dma_start3A_109 = tpu.memref_slice %arg6[%arg0, %mul3A_104, %dma_start3A_108] : memref<2x10112x128xf32, #tpu.memory_space<hbm>> -> memref<1x128x128xf32, #tpu.memory_space<hbm>>
        %dma_start3A_110 = tpu.memref_squeeze %dma_start3A_109 : memref<1x128x128xf32, #tpu.memory_space<hbm>> -> memref<128x128xf32, #tpu.memory_space<hbm>>
        tpu.enqueue_dma source(%arg15 : memref<128x128xf32, #tpu.memory_space<vmem>>) target(%dma_start3A_110 : memref<128x128xf32, #tpu.memory_space<hbm>>) target_semaphore(%run_scoped3A : memref<!tpu.dma_semaphore, #tpu.memory_space<semaphore_mem>>)
        %dma_wait3A_111 = arith.constant 0 : i32
        %dma_wait3A_112 = tpu.memref_slice %arg6[%arg0, %mul3A_104, %dma_wait3A_111] : memref<2x10112x128xf32, #tpu.memory_space<hbm>> -> memref<1x128x128xf32, #tpu.memory_space<hbm>>
        %dma_wait3A_113 = tpu.memref_squeeze %dma_wait3A_112 : memref<1x128x128xf32, #tpu.memory_space<hbm>> -> memref<128x128xf32, #tpu.memory_space<hbm>>
        %dma_wait3A_114 = arith.constant 0 : i32
        %dma_wait3A_115 = tpu.memref_slice %arg6[%arg0, %mul3A_104, %dma_wait3A_114] : memref<2x10112x128xf32, #tpu.memory_space<hbm>> -> memref<1x128x128xf32, #tpu.memory_space<hbm>>
        %dma_wait3A_116 = tpu.memref_squeeze %dma_wait3A_115 : memref<1x128x128xf32, #tpu.memory_space<hbm>> -> memref<128x128xf32, #tpu.memory_space<hbm>>
        tpu.wait_dma2 semaphore(%run_scoped3A : memref<!tpu.dma_semaphore, #tpu.memory_space<semaphore_mem>>) src(%arg15 : memref<128x128xf32, #tpu.memory_space<vmem>>) dst(%dma_wait3A_116 : memref<128x128xf32, #tpu.memory_space<hbm>>)
        tpu.yield
      }) : () -> ()
      "tpu.region"() ({
        %run_scoped3A = tpu.sem_alloc : memref<!tpu.dma_semaphore, #tpu.memory_space<semaphore_mem>>
        %dma_start3A_105 = arith.constant 0 : i32
        %dma_start3A_106 = tpu.memref_slice %arg7[%arg0, %mul3A_104, %dma_start3A_105] : memref<2x10112x16xf32, #tpu.memory_space<hbm>> -> memref<1x128x16xf32, #tpu.memory_space<hbm>>
        %dma_start3A_107 = tpu.memref_squeeze %dma_start3A_106 : memref<1x128x16xf32, #tpu.memory_space<hbm>> -> memref<128x16xf32, #tpu.memory_space<hbm>>
        %dma_start3A_108 = arith.constant 0 : i32
        %dma_start3A_109 = tpu.memref_slice %arg7[%arg0, %mul3A_104, %dma_start3A_108] : memref<2x10112x16xf32, #tpu.memory_space<hbm>> -> memref<1x128x16xf32, #tpu.memory_space<hbm>>
        %dma_start3A_110 = tpu.memref_squeeze %dma_start3A_109 : memref<1x128x16xf32, #tpu.memory_space<hbm>> -> memref<128x16xf32, #tpu.memory_space<hbm>>
        tpu.enqueue_dma source(%arg17 : memref<128x16xf32, #tpu.memory_space<vmem>>) target(%dma_start3A_110 : memref<128x16xf32, #tpu.memory_space<hbm>>) target_semaphore(%run_scoped3A : memref<!tpu.dma_semaphore, #tpu.memory_space<semaphore_mem>>)
        %dma_wait3A_111 = arith.constant 0 : i32
        %dma_wait3A_112 = tpu.memref_slice %arg7[%arg0, %mul3A_104, %dma_wait3A_111] : memref<2x10112x16xf32, #tpu.memory_space<hbm>> -> memref<1x128x16xf32, #tpu.memory_space<hbm>>
        %dma_wait3A_113 = tpu.memref_squeeze %dma_wait3A_112 : memref<1x128x16xf32, #tpu.memory_space<hbm>> -> memref<128x16xf32, #tpu.memory_space<hbm>>
        %dma_wait3A_114 = arith.constant 0 : i32
        %dma_wait3A_115 = tpu.memref_slice %arg7[%arg0, %mul3A_104, %dma_wait3A_114] : memref<2x10112x16xf32, #tpu.memory_space<hbm>> -> memref<1x128x16xf32, #tpu.memory_space<hbm>>
        %dma_wait3A_116 = tpu.memref_squeeze %dma_wait3A_115 : memref<1x128x16xf32, #tpu.memory_space<hbm>> -> memref<128x16xf32, #tpu.memory_space<hbm>>
        tpu.wait_dma2 semaphore(%run_scoped3A : memref<!tpu.dma_semaphore, #tpu.memory_space<semaphore_mem>>) src(%arg17 : memref<128x16xf32, #tpu.memory_space<vmem>>) dst(%dma_wait3A_116 : memref<128x16xf32, #tpu.memory_space<hbm>>)
        tpu.yield
      }) : () -> ()
    }
    %while3A_96 = arith.constant 1 : i32
    scf.for %while3A_97 = %while3A_94 to %while3A_90 step %while3A_96  : i32 {
      %mul3A_98 = arith.muli %while3A_97, %while3A_86 : i32
      %add3A_99 = arith.addi %while3A_87, %mul3A_98 : i32
      %mul3A_100 = arith.constant 16 : i32
      %mul3A_101 = arith.muli %add3A_99, %mul3A_100 : i32
      %add3A_102 = arith.addi %arg1, %mul3A_101 : i32
      %mul3A_103 = arith.constant 128 : i32
      %mul3A_104 = arith.muli %add3A_102, %mul3A_103 : i32
      "tpu.region"() ({
        %run_scoped3A = tpu.sem_alloc : memref<!tpu.dma_semaphore, #tpu.memory_space<semaphore_mem>>
        %dma_start3A_105 = tpu.memref_slice %arg5[%mul3A_104] : memref<10112xi32, #tpu.memory_space<hbm>> -> memref<128xi32, #tpu.memory_space<hbm>>
        %dma_start3A_106 = tpu.memref_slice %arg5[%mul3A_104] : memref<10112xi32, #tpu.memory_space<hbm>> -> memref<128xi32, #tpu.memory_space<hbm>>
        tpu.enqueue_dma source(%dma_start3A_106 : memref<128xi32, #tpu.memory_space<hbm>>) target(%arg10 : memref<128xi32, #tpu.memory_space<vmem>>) target_semaphore(%run_scoped3A : memref<!tpu.dma_semaphore, #tpu.memory_space<semaphore_mem>>)
        %dma_wait3A_107 = tpu.memref_slice %arg5[%mul3A_104] : memref<10112xi32, #tpu.memory_space<hbm>> -> memref<128xi32, #tpu.memory_space<hbm>>
        %dma_wait3A_108 = tpu.memref_slice %arg5[%mul3A_104] : memref<10112xi32, #tpu.memory_space<hbm>> -> memref<128xi32, #tpu.memory_space<hbm>>
        tpu.wait_dma2 semaphore(%run_scoped3A : memref<!tpu.dma_semaphore, #tpu.memory_space<semaphore_mem>>) src(%dma_wait3A_108 : memref<128xi32, #tpu.memory_space<hbm>>) dst(%arg10 : memref<128xi32, #tpu.memory_space<vmem>>)
        tpu.yield
      }) : () -> ()
      "tpu.region"() ({
        %run_scoped3A = tpu.sem_alloc : memref<!tpu.dma_semaphore, #tpu.memory_space<semaphore_mem>>
        %dma_start3A_105 = arith.constant 0 : i32
        %dma_start3A_106 = arith.constant 0 : i32
        %dma_start3A_107 = tpu.memref_slice %arg8[%dma_start3A_105, %dma_start3A_106] : memref<10112x128xf32, #tpu.memory_space<vmem_shared>> -> memref<10112x128xf32, #tpu.memory_space<vmem_shared>>
        tpu.enqueue_indirect_dma source(%dma_start3A_107 : memref<10112x128xf32, #tpu.memory_space<vmem_shared>>) target(%arg15 : memref<128x128xf32, #tpu.memory_space<vmem>>) offsets(%arg10 : memref<128xi32, #tpu.memory_space<vmem>>) semaphore(%run_scoped3A : memref<!tpu.dma_semaphore, #tpu.memory_space<semaphore_mem>>)
        %dma_wait3A_108 = arith.constant 0 : i32
        %dma_wait3A_109 = arith.constant 0 : i32
        %dma_wait3A_110 = tpu.memref_slice %arg8[%dma_wait3A_108, %dma_wait3A_109] : memref<10112x128xf32, #tpu.memory_space<vmem_shared>> -> memref<10112x128xf32, #tpu.memory_space<vmem_shared>>
        tpu.wait_indirect_dma semaphore(%run_scoped3A : memref<!tpu.dma_semaphore, #tpu.memory_space<semaphore_mem>>) src(%dma_wait3A_110 : memref<10112x128xf32, #tpu.memory_space<vmem_shared>>) dst(%arg15 : memref<128x128xf32, #tpu.memory_space<vmem>>)
        tpu.yield
      }) : () -> ()
      "tpu.region"() ({
        %run_scoped3A = tpu.sem_alloc : memref<!tpu.dma_semaphore, #tpu.memory_space<semaphore_mem>>
        %dma_start3A_105 = arith.constant 0 : i32
        %dma_start3A_106 = arith.constant 0 : i32
        %dma_start3A_107 = tpu.memref_slice %arg9[%dma_start3A_105, %dma_start3A_106] : memref<10112x16xf32, #tpu.memory_space<vmem_shared>> -> memref<10112x16xf32, #tpu.memory_space<vmem_shared>>
        tpu.enqueue_indirect_dma source(%dma_start3A_107 : memref<10112x16xf32, #tpu.memory_space<vmem_shared>>) target(%arg17 : memref<128x16xf32, #tpu.memory_space<vmem>>) offsets(%arg10 : memref<128xi32, #tpu.memory_space<vmem>>) semaphore(%run_scoped3A : memref<!tpu.dma_semaphore, #tpu.memory_space<semaphore_mem>>)
        %dma_wait3A_108 = arith.constant 0 : i32
        %dma_wait3A_109 = arith.constant 0 : i32
        %dma_wait3A_110 = tpu.memref_slice %arg9[%dma_wait3A_108, %dma_wait3A_109] : memref<10112x16xf32, #tpu.memory_space<vmem_shared>> -> memref<10112x16xf32, #tpu.memory_space<vmem_shared>>
        tpu.wait_indirect_dma semaphore(%run_scoped3A : memref<!tpu.dma_semaphore, #tpu.memory_space<semaphore_mem>>) src(%dma_wait3A_110 : memref<10112x16xf32, #tpu.memory_space<vmem_shared>>) dst(%arg17 : memref<128x16xf32, #tpu.memory_space<vmem>>)
        tpu.yield
      }) : () -> ()
      "tpu.region"() ({
        %run_scoped3A = tpu.sem_alloc : memref<!tpu.dma_semaphore, #tpu.memory_space<semaphore_mem>>
        %dma_start3A_105 = arith.constant 0 : i32
        %dma_start3A_106 = tpu.memref_slice %arg6[%arg0, %mul3A_104, %dma_start3A_105] : memref<2x10112x128xf32, #tpu.memory_space<hbm>> -> memref<1x128x128xf32, #tpu.memory_space<hbm>>
        %dma_start3A_107 = tpu.memref_squeeze %dma_start3A_106 : memref<1x128x128xf32, #tpu.memory_space<hbm>> -> memref<128x128xf32, #tpu.memory_space<hbm>>
        %dma_start3A_108 = arith.constant 0 : i32
        %dma_start3A_109 = tpu.memref_slice %arg6[%arg0, %mul3A_104, %dma_start3A_108] : memref<2x10112x128xf32, #tpu.memory_space<hbm>> -> memref<1x128x128xf32, #tpu.memory_space<hbm>>
        %dma_start3A_110 = tpu.memref_squeeze %dma_start3A_109 : memref<1x128x128xf32, #tpu.memory_space<hbm>> -> memref<128x128xf32, #tpu.memory_space<hbm>>
        tpu.enqueue_dma source(%arg15 : memref<128x128xf32, #tpu.memory_space<vmem>>) target(%dma_start3A_110 : memref<128x128xf32, #tpu.memory_space<hbm>>) target_semaphore(%run_scoped3A : memref<!tpu.dma_semaphore, #tpu.memory_space<semaphore_mem>>)
        %dma_wait3A_111 = arith.constant 0 : i32
        %dma_wait3A_112 = tpu.memref_slice %arg6[%arg0, %mul3A_104, %dma_wait3A_111] : memref<2x10112x128xf32, #tpu.memory_space<hbm>> -> memref<1x128x128xf32, #tpu.memory_space<hbm>>
        %dma_wait3A_113 = tpu.memref_squeeze %dma_wait3A_112 : memref<1x128x128xf32, #tpu.memory_space<hbm>> -> memref<128x128xf32, #tpu.memory_space<hbm>>
        %dma_wait3A_114 = arith.constant 0 : i32
        %dma_wait3A_115 = tpu.memref_slice %arg6[%arg0, %mul3A_104, %dma_wait3A_114] : memref<2x10112x128xf32, #tpu.memory_space<hbm>> -> memref<1x128x128xf32, #tpu.memory_space<hbm>>
        %dma_wait3A_116 = tpu.memref_squeeze %dma_wait3A_115 : memref<1x128x128xf32, #tpu.memory_space<hbm>> -> memref<128x128xf32, #tpu.memory_space<hbm>>
        tpu.wait_dma2 semaphore(%run_scoped3A : memref<!tpu.dma_semaphore, #tpu.memory_space<semaphore_mem>>) src(%arg15 : memref<128x128xf32, #tpu.memory_space<vmem>>) dst(%dma_wait3A_116 : memref<128x128xf32, #tpu.memory_space<hbm>>)
        tpu.yield
      }) : () -> ()
      "tpu.region"() ({
        %run_scoped3A = tpu.sem_alloc : memref<!tpu.dma_semaphore, #tpu.memory_space<semaphore_mem>>
        %dma_start3A_105 = arith.constant 0 : i32
        %dma_start3A_106 = tpu.memref_slice %arg7[%arg0, %mul3A_104, %dma_start3A_105] : memref<2x10112x16xf32, #tpu.memory_space<hbm>> -> memref<1x128x16xf32, #tpu.memory_space<hbm>>
        %dma_start3A_107 = tpu.memref_squeeze %dma_start3A_106 : memref<1x128x16xf32, #tpu.memory_space<hbm>> -> memref<128x16xf32, #tpu.memory_space<hbm>>
        %dma_start3A_108 = arith.constant 0 : i32
        %dma_start3A_109 = tpu.memref_slice %arg7[%arg0, %mul3A_104, %dma_start3A_108] : memref<2x10112x16xf32, #tpu.memory_space<hbm>> -> memref<1x128x16xf32, #tpu.memory_space<hbm>>
        %dma_start3A_110 = tpu.memref_squeeze %dma_start3A_109 : memref<1x128x16xf32, #tpu.memory_space<hbm>> -> memref<128x16xf32, #tpu.memory_space<hbm>>
        tpu.enqueue_dma source(%arg17 : memref<128x16xf32, #tpu.memory_space<vmem>>) target(%dma_start3A_110 : memref<128x16xf32, #tpu.memory_space<hbm>>) target_semaphore(%run_scoped3A : memref<!tpu.dma_semaphore, #tpu.memory_space<semaphore_mem>>)
        %dma_wait3A_111 = arith.constant 0 : i32
        %dma_wait3A_112 = tpu.memref_slice %arg7[%arg0, %mul3A_104, %dma_wait3A_111] : memref<2x10112x16xf32, #tpu.memory_space<hbm>> -> memref<1x128x16xf32, #tpu.memory_space<hbm>>
        %dma_wait3A_113 = tpu.memref_squeeze %dma_wait3A_112 : memref<1x128x16xf32, #tpu.memory_space<hbm>> -> memref<128x16xf32, #tpu.memory_space<hbm>>
        %dma_wait3A_114 = arith.constant 0 : i32
        %dma_wait3A_115 = tpu.memref_slice %arg7[%arg0, %mul3A_104, %dma_wait3A_114] : memref<2x10112x16xf32, #tpu.memory_space<hbm>> -> memref<1x128x16xf32, #tpu.memory_space<hbm>>
        %dma_wait3A_116 = tpu.memref_squeeze %dma_wait3A_115 : memref<1x128x16xf32, #tpu.memory_space<hbm>> -> memref<128x16xf32, #tpu.memory_space<hbm>>
        tpu.wait_dma2 semaphore(%run_scoped3A : memref<!tpu.dma_semaphore, #tpu.memory_space<semaphore_mem>>) src(%arg17 : memref<128x16xf32, #tpu.memory_space<vmem>>) dst(%dma_wait3A_116 : memref<128x16xf32, #tpu.memory_space<hbm>>)
        tpu.yield
      }) : () -> ()
    }
    return
  }
}

module attributes {stable_mosaic.version = 14 : i64} {
  func.func @_pre_body(%arg0: i32, %arg1: memref<1000x128xf32, #tpu.memory_space<vmem>>, %arg2: memref<128x128xf32, #tpu.memory_space<vmem>>, %arg3: memref<128x128xf32, #tpu.memory_space<vmem>>, %arg4: memref<1x128xf32, #tpu.memory_space<vmem>>, %arg5: memref<1x128xf32, #tpu.memory_space<vmem>>, %arg6: memref<1000x128xf32, #tpu.memory_space<vmem>>, %arg7: memref<1000x128xf32, #tpu.memory_space<vmem>>) attributes {dimension_semantics = [#tpu.dimension_semantics<parallel>], iteration_bounds = array<i64: 10>, scalar_prefetch = 0 : i64, scratch_operands = 0 : i64, tpu.core_type = #tpu.core_type<tc>, window_params = [{transform_indices = @transform_0, window_bounds = array<i64: 1000, 128>}, {pipeline_mode = #tpu.pipeline_mode<synchronous>, transform_indices = @transform_1, window_bounds = array<i64: 128, 128>}, {pipeline_mode = #tpu.pipeline_mode<synchronous>, transform_indices = @transform_2, window_bounds = array<i64: 128, 128>}, {pipeline_mode = #tpu.pipeline_mode<synchronous>, transform_indices = @transform_3, window_bounds = array<i64: 1, 128>}, {pipeline_mode = #tpu.pipeline_mode<synchronous>, transform_indices = @transform_4, window_bounds = array<i64: 1, 128>}, {transform_indices = @transform_5, window_bounds = array<i64: 1000, 128>}, {transform_indices = @transform_6, window_bounds = array<i64: 1000, 128>}]} {
    %get3A = arith.constant 0 : index
    %get3A_0 = arith.constant 0 : index
    %get3A_1 = vector.load %arg1[%get3A, %get3A_0] : memref<1000x128xf32, #tpu.memory_space<vmem>>, vector<1000x128xf32>
    %get3A_2 = arith.constant 0 : index
    %get3A_3 = arith.constant 0 : index
    %get3A_4 = vector.load %arg2[%get3A_2, %get3A_3] : memref<128x128xf32, #tpu.memory_space<vmem>>, vector<128x128xf32>
    %dot_general3A = arith.constant dense<0.000000e+00> : vector<1000x128xf32>
    %dot_general3A_5 = tpu.matmul %get3A_1, %get3A_4, %dot_general3A {dimension_numbers = #tpu.dot_dimension_numbers<[1], [0], [0], [1], [0, 0, 1, 1], [], []>, transpose_lhs_hint = false} : vector<1000x128xf32>, vector<128x128xf32>, vector<1000x128xf32> -> vector<1000x128xf32>
    %get3A_6 = arith.constant 0 : index
    %get3A_7 = arith.constant 0 : index
    %get3A_8 = vector.load %arg4[%get3A_6, %get3A_7] : memref<1x128xf32, #tpu.memory_space<vmem>>, vector<1x128xf32>
    %add3A = vector.broadcast %get3A_8 : vector<1x128xf32> to vector<1000x128xf32>
    %add3A_9 = arith.addf %dot_general3A_5, %add3A : vector<1000x128xf32>
    %swap3A = arith.constant 0 : index
    %swap3A_10 = arith.constant 0 : index
    %swap3A_11 = vector.load %arg6[%swap3A, %swap3A_10] : memref<1000x128xf32, #tpu.memory_space<vmem>>, vector<1000x128xf32>
    tpu.vector_store %arg6[%swap3A, %swap3A_10], %add3A_9 {strides = array<i32>} : memref<1000x128xf32, #tpu.memory_space<vmem>>, vector<1000x128xf32>,
    %get3A_12 = arith.constant 0 : index
    %get3A_13 = arith.constant 0 : index
    %get3A_14 = vector.load %arg3[%get3A_12, %get3A_13] : memref<128x128xf32, #tpu.memory_space<vmem>>, vector<128x128xf32>
    %dot_general3A_15 = arith.constant dense<0.000000e+00> : vector<1000x128xf32>
    %dot_general3A_16 = tpu.matmul %get3A_1, %get3A_14, %dot_general3A_15 {dimension_numbers = #tpu.dot_dimension_numbers<[1], [0], [0], [1], [0, 0, 1, 1], [], []>, transpose_lhs_hint = false} : vector<1000x128xf32>, vector<128x128xf32>, vector<1000x128xf32> -> vector<1000x128xf32>
    %get3A_17 = arith.constant 0 : index
    %get3A_18 = arith.constant 0 : index
    %get3A_19 = vector.load %arg5[%get3A_17, %get3A_18] : memref<1x128xf32, #tpu.memory_space<vmem>>, vector<1x128xf32>
    %add3A_20 = vector.broadcast %get3A_19 : vector<1x128xf32> to vector<1000x128xf32>
    %add3A_21 = arith.addf %dot_general3A_16, %add3A_20 : vector<1000x128xf32>
    %swap3A_22 = arith.constant 0 : index
    %swap3A_23 = arith.constant 0 : index
    %swap3A_24 = vector.load %arg7[%swap3A_22, %swap3A_23] : memref<1000x128xf32, #tpu.memory_space<vmem>>, vector<1000x128xf32>
    tpu.vector_store %arg7[%swap3A_22, %swap3A_23], %add3A_21 {strides = array<i32>} : memref<1000x128xf32, #tpu.memory_space<vmem>>, vector<1000x128xf32>,
    return
  }
  func.func @transform_0(%arg0: i32) -> (i32, i32) {
    %c0_i32 = arith.constant 0 : i32
    %c0_i32_0 = arith.constant 0 : i32
    return %arg0, %c0_i32 : i32, i32
  }
  func.func @transform_1(%arg0: i32) -> (i32, i32) {
    %c0_i32 = arith.constant 0 : i32
    %c0_i32_0 = arith.constant 0 : i32
    %c0_i32_1 = arith.constant 0 : i32
    return %c0_i32, %c0_i32_0 : i32, i32
  }
  func.func @transform_2(%arg0: i32) -> (i32, i32) {
    %c0_i32 = arith.constant 0 : i32
    %c0_i32_0 = arith.constant 0 : i32
    %c0_i32_1 = arith.constant 0 : i32
    return %c0_i32, %c0_i32_0 : i32, i32
  }
  func.func @transform_3(%arg0: i32) -> (i32, i32) {
    %c0_i32 = arith.constant 0 : i32
    %c0_i32_0 = arith.constant 0 : i32
    %c0_i32_1 = arith.constant 0 : i32
    return %c0_i32, %c0_i32_0 : i32, i32
  }
  func.func @transform_4(%arg0: i32) -> (i32, i32) {
    %c0_i32 = arith.constant 0 : i32
    %c0_i32_0 = arith.constant 0 : i32
    %c0_i32_1 = arith.constant 0 : i32
    return %c0_i32, %c0_i32_0 : i32, i32
  }
  func.func @transform_5(%arg0: i32) -> (i32, i32) {
    %c0_i32 = arith.constant 0 : i32
    %c0_i32_0 = arith.constant 0 : i32
    return %arg0, %c0_i32 : i32, i32
  }
  func.func @transform_6(%arg0: i32) -> (i32, i32) {
    %c0_i32 = arith.constant 0 : i32
    %c0_i32_0 = arith.constant 0 : i32
    return %arg0, %c0_i32 : i32, i32
  }
}

module attributes {stable_mosaic.version = 14 : i64} {
  func.func @_post_body(%arg0: i32, %arg1: memref<1000x128xf32, #tpu.memory_space<vmem>>, %arg2: memref<2x1000x128xf32, #tpu.memory_space<vmem>>, %arg3: memref<2x1000x16xf32, #tpu.memory_space<vmem>>, %arg4: memref<16x128xf32, #tpu.memory_space<vmem>>, %arg5: memref<1000x128xf32, #tpu.memory_space<vmem>>) attributes {dimension_semantics = [#tpu.dimension_semantics<parallel>], iteration_bounds = array<i64: 10>, scalar_prefetch = 0 : i64, scratch_operands = 0 : i64, tpu.core_type = #tpu.core_type<tc>, window_params = [{transform_indices = @transform_0, window_bounds = array<i64: 1000, 128>}, {transform_indices = @transform_1, window_bounds = array<i64: 2, 1000, 128>}, {transform_indices = @transform_2, window_bounds = array<i64: 2, 1000, 16>}, {pipeline_mode = #tpu.pipeline_mode<synchronous>, transform_indices = @transform_3, window_bounds = array<i64: 16, 128>}, {transform_indices = @transform_4, window_bounds = array<i64: 1000, 128>}]} {
    %get3A = arith.constant 0 : index
    %get3A_0 = arith.constant 0 : index
    %get3A_1 = arith.constant 0 : index
    %get3A_2 = vector.load %arg2[%get3A, %get3A_0, %get3A_1] : memref<2x1000x128xf32, #tpu.memory_space<vmem>>, vector<1x1000x128xf32>
    %get3A_3 = vector.shape_cast %get3A_2 : vector<1x1000x128xf32> to vector<1000x128xf32>
    %get3A_4 = arith.constant 1 : index
    %get3A_5 = arith.constant 0 : index
    %get3A_6 = arith.constant 0 : index
    %get3A_7 = vector.load %arg2[%get3A_4, %get3A_5, %get3A_6] : memref<2x1000x128xf32, #tpu.memory_space<vmem>>, vector<1x1000x128xf32>
    %get3A_8 = vector.shape_cast %get3A_7 : vector<1x1000x128xf32> to vector<1000x128xf32>
    %add3A = arith.addf %get3A_3, %get3A_8 : vector<1000x128xf32>
    %get3A_9 = arith.constant 0 : index
    %get3A_10 = arith.constant 0 : index
    %get3A_11 = arith.constant 0 : index
    %get3A_12 = vector.load %arg3[%get3A_9, %get3A_10, %get3A_11] : memref<2x1000x16xf32, #tpu.memory_space<vmem>>, vector<1x1000x16xf32>
    %get3A_13 = vector.shape_cast %get3A_12 : vector<1x1000x16xf32> to vector<1000x16xf32>
    %get3A_14 = arith.constant 1 : index
    %get3A_15 = arith.constant 0 : index
    %get3A_16 = arith.constant 0 : index
    %get3A_17 = vector.load %arg3[%get3A_14, %get3A_15, %get3A_16] : memref<2x1000x16xf32, #tpu.memory_space<vmem>>, vector<1x1000x16xf32>
    %get3A_18 = vector.shape_cast %get3A_17 : vector<1x1000x16xf32> to vector<1000x16xf32>
    %add3A_19 = arith.addf %get3A_13, %get3A_18 : vector<1000x16xf32>
    %get3A_20 = arith.constant 0 : index
    %get3A_21 = arith.constant 0 : index
    %get3A_22 = vector.load %arg4[%get3A_20, %get3A_21] : memref<16x128xf32, #tpu.memory_space<vmem>>, vector<16x128xf32>
    %dot_general3A = arith.constant dense<0.000000e+00> : vector<1000x128xf32>
    %dot_general3A_23 = tpu.matmul %add3A_19, %get3A_22, %dot_general3A {dimension_numbers = #tpu.dot_dimension_numbers<[1], [0], [0], [1], [0, 0, 1, 1], [], []>, transpose_lhs_hint = false} : vector<1000x16xf32>, vector<16x128xf32>, vector<1000x128xf32> -> vector<1000x128xf32>
    %add3A_24 = arith.addf %add3A, %dot_general3A_23 : vector<1000x128xf32>
    %get3A_25 = arith.constant 0 : index
    %get3A_26 = arith.constant 0 : index
    %get3A_27 = vector.load %arg1[%get3A_25, %get3A_26] : memref<1000x128xf32, #tpu.memory_space<vmem>>, vector<1000x128xf32>
    %add3A_28 = arith.addf %get3A_27, %add3A_24 : vector<1000x128xf32>
    %max3A = arith.constant 0.000000e+00 : f32
    %max3A_29 = vector.broadcast %max3A : f32 to vector<1000x128xf32>
    %max3A_30 = arith.maximumf %add3A_28, %max3A_29 : vector<1000x128xf32>
    %swap3A = arith.constant 0 : index
    %swap3A_31 = arith.constant 0 : index
    %swap3A_32 = vector.load %arg5[%swap3A, %swap3A_31] : memref<1000x128xf32, #tpu.memory_space<vmem>>, vector<1000x128xf32>
    tpu.vector_store %arg5[%swap3A, %swap3A_31], %max3A_30 {strides = array<i32>} : memref<1000x128xf32, #tpu.memory_space<vmem>>, vector<1000x128xf32>,
    return
  }
  func.func @transform_0(%arg0: i32) -> (i32, i32) {
    %c0_i32 = arith.constant 0 : i32
    %c0_i32_0 = arith.constant 0 : i32
    return %arg0, %c0_i32 : i32, i32
  }
  func.func @transform_1(%arg0: i32) -> (i32, i32, i32) {
    %c0_i32 = arith.constant 0 : i32
    %c0_i32_0 = arith.constant 0 : i32
    %c0_i32_1 = arith.constant 0 : i32
    return %c0_i32, %arg0, %c0_i32_0 : i32, i32, i32
  }
  func.func @transform_2(%arg0: i32) -> (i32, i32, i32) {
    %c0_i32 = arith.constant 0 : i32
    %c0_i32_0 = arith.constant 0 : i32
    %c0_i32_1 = arith.constant 0 : i32
    return %c0_i32, %arg0, %c0_i32_0 : i32, i32, i32
  }
  func.func @transform_3(%arg0: i32) -> (i32, i32) {
    %c0_i32 = arith.constant 0 : i32
    %c0_i32_0 = arith.constant 0 : i32
    %c0_i32_1 = arith.constant 0 : i32
    return %c0_i32, %c0_i32_0 : i32, i32
  }
  func.func @transform_4(%arg0: i32) -> (i32, i32) {
    %c0_i32 = arith.constant 0 : i32
    %c0_i32_0 = arith.constant 0 : i32
    return %arg0, %c0_i32 : i32, i32
  }
}

</mosaic_0001>

<sc_bundles>
// kernel: kernel.5.cloned.1.call-start
scs
__scs_entry_jumppad:
0x0: {  	(pc) =	sbr.rel $0x88, $3  }
0x1: {  	(tag) =	ssettag $0x0;
	lr =	simm.s32 $0x1  }
0x2: {  	[smem:$0x3F98] =	sst lr;
	_ =	strace $0xD0000000  }
0x3: {  	_ = 	snop  }
0x4: {  	_ = 	snop  }
0x5: {  	_ = 	snop  }
0x6: {  	_ = 	snop  }
0x7: {  	_ = 	snop  }
__scs_overlays_trampoline_lowered:
0x8: {  	[smem:$0x3FA7] =	sst s0  }
0x9: {  	[smem:$0x3FA8] =	sst s1  }
0xa: {  	[smem:$0x3FA9] =	sst s2  }
0xb: {  	[smem:$0x3FAA] =	sst s3  }
0xc: {  	[smem:$0x3FAB] =	sst s4  }
0xd: {  	[smem:$0x3FAC] =	sst s5  }
0xe: {  	[smem:$0x3FAD] =	sst s6  }
0xf: {  	[smem:$0x3FAE] =	sst s7  }
0x10: {  	[smem:$0x3FAF] =	sst s8  }
0x11: {  	[smem:$0x3FB0] =	sst s9;
	s0 =	simm.s32 @!p0 $0x0  }
0x12: {  	s1 =	sld [smem:$0x3F96];
	s0 =	simm.s32 @p0 $0x1  }
0x13: {  	[smem:$0x3FB1] =	sst s0;
	s0 =	simm.s32 @!p1 $0x0  }
0x14: {  	s2 =	sld [smem:$0x3F95];
	s0 =	simm.s32 @p1 $0x1  }
0x15: {  	[smem:$0x3FB2] =	sst s0;
	s0 =	simm.s32 @!p2 $0x0  }
0x16: {  	s3 =	sld [smem:$0x3FDB];
	s0 =	simm.s32 @p2 $0x1  }
0x17: {  	s4 =	simm.s32 $0x1BF5;
	[smem:$0x3FB4] =	sst s0  }
0x18: {  	s0 =	sld [smem:$0x3F97];
	_ =	swait.ge [sflag:s4], $0x0  }
0x19: {  	s7 =	sld [smem:$0x3F98]  }
0x1a: {  	s8 =	sadd.s32 $0xFFFFE003, lr  }
0x1b: {  	s9 =	sadd.s32 $0xFFFFFEF7, lr;
	s5 =	simm.s32 $0xFFFFFFFF;
	p2 =	slt.u32 s8, $0xFFFFF086  }
0x1c: {  	p1 =	slt.u32 s9, $0xF7A;
	s5 =	simm.s32 @!p2 $0x0  }
0x1d: {  	s5 =	simm.s32 @p1 $0x1;
	p0 =	seq.s32 s7, s2  }
0x1e: {  	s7 =	smul.u32 @!p0 $0xF7A, s2;
	p2 =	seq.s32 @!p0 s5, $0x0  }
0x1f: {  	s9 =	smul.u32 $0xF7A, s1;
	s8 =	simm.s32 @!p0 $0x1BF5;
	p2 =	por !p2, p0  }
0x20: {  	[sflag:s8] =	ssyncset.s32 @!p0 $0xFFFFF086;
	s6 =	sadd.s32 @!p0 s3, s7;
	s7 =	simm.s32 @!p0 $0x108  }
0x21: {  	s3 =	sadd.s32 s3, s9;
	s6 =	sadd.s32 @!p0 $0x88, s6;
	s7 =	simm.s32 @p2 $0x1082  }
0x22: {  	[simem:s7], [sflag:s8] =	dma.local @!p0 [hbm:s6], $0xF7A  }
0x23: {  	s9 =	sor.u32 $0xD0000000, s2;
	s6 =	simm.s32 $0x108;
	_ =	swait.ge @!p0 [sflag:s8], $0x0  }
0x24: {  	s3 =	sadd.s32 $0x88, s3;
	s6 =	simm.s32 @!p1 $0x1082;
	[sflag:s4] =	ssyncset.s32 $0xFFFFF086  }
0x25: {  	[simem:s6], [sflag:s4] =	dma.local [hbm:s3], $0xF7A  }
0x26: {  	[smem:$0x3F98] =	sst s1;
	(tag) =	ssettag s2;
	_ =	strace s9  }
0x27: {  	s1 =	sld [smem:$0x3FA8]  }
0x28: {  	s2 =	sld [smem:$0x3FA9]  }
0x29: {  	s4 =	sld [smem:$0x3FAB]  }
0x2a: {  	p0 =	seq.s32 s5, $0x0;
	s5 =	sld [smem:$0x3FAC]  }
0x2b: {  	s6 =	sld [smem:$0x3FAD]  }
0x2c: {  	s7 =	sld [smem:$0x3FAE]  }
0x2d: {  	s3 =	simm.s32 $0x108;
	s8 =	sld [smem:$0x3FAF]  }
0x2e: {  	s3 =	simm.s32 @!p0 $0x1082;
	s9 =	sld [smem:$0x3FB0]  }
0x2f: {  	lr =	sadd.s32 s0, s3;
	s0 =	sld [smem:$0x3FA7]  }
0x30: {  	s3 =	sld [smem:$0x3FAA]  }
0x31: {  	[smem:$0x3FB3] =	sst s10  }
0x32: {  	s10 =	sld [smem:$0x3FB1];
	_ =	sdelay $0x3  }
0x33: {  	p0 =	seq.s32 s10, $0x1;
	s10 =	sld [smem:$0x3FB3];
	_ =	sdelay $0x3  }
0x34: {  	[smem:$0x3FB3] =	sst s10  }
0x35: {  	s10 =	sld [smem:$0x3FB2];
	_ =	sdelay $0x3  }
0x36: {  	p1 =	seq.s32 s10, $0x1;
	s10 =	sld [smem:$0x3FB3];
	_ =	sdelay $0x3  }
0x37: {  	[smem:$0x3FB3] =	sst s10  }
0x38: {  	s10 =	sld [smem:$0x3FB4]  }
0x39: {  	_ = 	snop;
	(pc) =	sbr.ind lr, $3  }
0x3a: {  	_ = 	snop  }
0x3b: {  	_ = 	snop  }
0x3c: {  	p2 =	seq.s32 s10, $0x1;
	s10 =	sld [smem:$0x3FB3]  }
0x3d: {  	_ =	shalt  }
0x3e: {  	_ =	shalt  }
0x3f: {  	_ =	shalt  }
0x40: {  	_ =	shalt  }
0x41: {  	_ =	shalt  }
0x42: {  	_ =	shalt  }
0x43: {  	_ =	shalt  }
0x44: {  	_ =	shalt  }
0x45: {  	_ =	shalt  }
0x46: {  	_ =	shalt  }
0x47: {  	_ =	shalt  }
0x48: {  	_ =	shalt  }
0x49: {  	_ =	shalt  }
0x4a: {  	_ =	shalt  }
0x4b: {  	_ =	shalt  }
0x4c: {  	_ =	shalt  }
0x4d: {  	_ =	shalt  }
0x4e: {  	_ =	shalt  }
0x4f: {  	_ =	shalt  }
0x50: {  	_ =	shalt  }
0x51: {  	_ =	shalt  }
0x52: {  	_ =	shalt  }
0x53: {  	_ =	shalt  }
0x54: {  	_ =	shalt  }
0x55: {  	_ =	shalt  }
0x56: {  	_ =	shalt  }
0x57: {  	_ =	shalt  }
0x58: {  	_ =	shalt  }
0x59: {  	_ =	shalt  }
0x5a: {  	_ =	shalt  }
0x5b: {  	_ =	shalt  }
0x5c: {  	_ =	shalt  }
0x5d: {  	_ =	shalt  }
0x5e: {  	_ =	shalt  }
0x5f: {  	_ =	shalt  }
0x60: {  	_ =	shalt  }
0x61: {  	_ =	shalt  }
0x62: {  	_ =	shalt  }
0x63: {  	_ =	shalt  }
0x64: {  	_ =	shalt  }
0x65: {  	_ =	shalt  }
0x66: {  	_ =	shalt  }
0x67: {  	_ =	shalt  }
0x68: {  	_ =	shalt  }
0x69: {  	_ =	shalt  }
0x6a: {  	_ =	shalt  }
0x6b: {  	_ =	shalt  }
0x6c: {  	_ =	shalt  }
0x6d: {  	_ =	shalt  }
0x6e: {  	_ =	shalt  }
0x6f: {  	_ =	shalt  }
0x70: {  	_ =	shalt  }
0x71: {  	_ =	shalt  }
0x72: {  	_ =	shalt  }
0x73: {  	_ =	shalt  }
0x74: {  	_ =	shalt  }
0x75: {  	_ =	shalt  }
0x76: {  	_ =	shalt  }
0x77: {  	_ =	shalt  }
0x78: {  	_ =	shalt  }
0x79: {  	_ =	shalt  }
0x7a: {  	_ =	shalt  }
0x7b: {  	_ =	shalt  }
0x7c: {  	_ =	shalt  }
0x7d: {  	_ =	shalt  }
0x7e: {  	_ =	shalt  }
0x7f: {  	_ =	shalt  }
0x80: {  	_ =	shalt  }
0x81: {  	_ =	shalt  }
0x82: {  	_ =	shalt  }
0x83: {  	_ =	shalt  }
0x84: {  	_ =	shalt  }
0x85: {  	_ =	shalt  }
0x86: {  	_ =	shalt  }
0x87: {  	_ =	shalt  }
.Lfunc_end0:
.L_simem_size_0:
called_computation_lowered:
.L_overlay_start_0:
0x88: {  	s2 =	sld [smem:$0x3FD9]  }
0x89: {  	s3 =	sld [smem:$0x3FFE];
	_ =	sdelay $0x1  }
0x8a: {  	s1 =	srdreg.scid  }
0x8b: {  	s0 =	sand.u32 $0x1, s1  }
0x8c: {  	s17 =	sshll.u32 s0, $0xA;
	s2 =	sadd.s32 s3, s2  }
0x8d: {  	s2 =	sadd.s32 s2, s17  }
0x8e: {  	[smem:$0x3FBF] =	sst s2  }
0x8f: {  	_ = 	snop  }
0x90: {  	s2 =	sld [smem:$0x3FD0];
	(tm) =	ssettm $0x1  }
0x91: {  	s18 =	sld [smem:$0x3FFB];
	_ =	sdelay $0x3  }
0x92: {  	_ =	strace s18  }
0x93: {  	s3 =	sld [smem:$0x3FFC];
	_ =	sdelay $0x3  }
0x94: {  	_ =	strace s3  }
0x95: {  	s3 =	sld [smem:$0x3FFD];
	_ =	sdelay $0x3  }
0x96: {  	_ =	strace s3  }
0x97: {  	_ =	strace $0x8FFFFFFF  }
0x98: {  	s19 =	sld [smem:$0x3FDB];
	_ =	sdelay $0x1  }
0x99: {  	s4 =	simm.s32 $_scs_section_size  }
0x9a: {  	s5 =	simm.s32 $_size__tile_overlayer_lowered;
	s6 =	simm.s32 $_tile_overlayer_lowered  }
0x9b: {  	s22 =	simm.s32 $0x1BFF;
	s21 =	sshll.u32 s6, $0x1;
	s3 =	sadd.s32 s4, s19  }
0x9c: {  	s7 =	simm.s32 $0x0;
	s20 =	sshll.u32 s5, $0x1;
	s5 =	sadd.s32 s21, s3  }
0x9d: {  	[timem:s7], [sflag:s22] =	dma.local [hbm:s5], s20  }
0x9e: {  	_ =	swait.ge [sflag:s22], s20  }
0x9f: {  	s4 =	ssub.s32 $0x0, s20;
	[sflag:s22] =	ssyncset.done $0x0  }
0xa0: {  	[sflag:s22] =	ssyncadd.s32 s4;
	_ =	sdelay $0x1  }
0xa1: {  	s23 =	simm.s32 $0x1B8B  }
0xa2: {  	_ =	swait.ge [sflag:s23], $0x1  }
0xa3: {  	[sflag:s23] =	ssyncset.done $0x0  }
0xa4: {  	s25 =	simm.s32 $0x1B8E;
	s24 =	sld [smem:$0x3FFE];
	[sflag:s23] =	ssyncadd.s32 $0xFFFFFFFF  }
0xa5: {  	s26 =	simm.s32 $execute0_lowered;
	[smem:$0x3FD2] =	sst s25  }
0xa6: {  	s5 =	sshll.u32 s26, $0x1;
	_ =	strace $0x80000046;
	[dreg:$0x1] =	wrdreg $0xFFFFFFFF  }
0xa7: {  	s28 =	simm.s32 $_size_execute0_lowered;
	s3 =	sadd.s32 s3, s5;
	[dreg:$0x0] =	wrdreg $0x0  }
0xa8: {  	s5 =	sshll.u32 s28, $0x1;
	[dreg:$0x2] =	wrdreg s3  }
0xa9: {  	[dreg:$0x3] =	wrdreg s5  }
0xaa: {  	[dreg:$0x4] =	wrdreg $0xC0  }
0xab: {  	_ =	task [dreg:s7], $0x5FFFF  }
0xac: {  	[dreg:$0x1] =	wrdreg $0xFFFFFFFF  }
0xad: {  	[dreg:$0x0] =	wrdreg $0x60  }
0xae: {  	[dreg:$0x2] =	wrdreg s2  }
0xaf: {  	[dreg:$0x3] =	wrdreg s24  }
0xb0: {  	[dreg:$0x4] =	wrdreg $0x0  }
0xb1: {  	[dreg:$0x5] =	wrdreg $0x13C000  }
0xb2: {  	[dreg:$0x6] =	wrdreg $0x9  }
0xb3: {  	_ =	task.clear_ibuf [dreg:s7], $0x7FFFF;
	_ =	strace $0x90000046  }
0xb4: {  	s29 =	simm.s32 $0x9;
	_ =	strace $0x80000048  }
0xb5: {  	_ =	swait.ge [sflag:s29], $0x1  }
0xb6: {  	[sflag:s29] =	ssyncadd.s32 $0xFFFFFFFF  }
0xb7: {  	_ =	strace $0x90000048  }
0xb8: {  	_ =	sfence  }
0xb9: {  	s30 =	sld [smem:$0x0];
	_ =	sdelay $0x2  }
0xba: {  	s31 =	sshll.u32 s1, $0xD;
	s1 =	sshrl.u32 s1, $0x2  }
0xbb: {  	s3 =	sand.u32 $0x4000, s31;
	s1 =	sadd.s32 s1, s30  }
0xbc: {  	s0 =	sor.u32 s3, s0;
	s1 =	sshll.u32 s1, $0x11  }
0xbd: {  	s0 =	sor.u32 s1, s0  }
0xbe: {  	s0 =	sadd.s32 $0x8F2B, s0  }
0xbf: {  	[sflag:s0] =	ssyncadd.remote.s32 $0x1  }
0xc0: {  	_ =	sfence.sel $0xFFFF  }
0xc1: {  	[dreg:$0x0] =	wrdreg $0xFFFFFFFF;
	(pc) =	sbr.abs _section_cstart, $3  }
0xc2: {  	[dreg:$0x1] =	wrdreg $0xFFFFFFFF  }
0xc3: {  	_ =	task.clear_ibuf [dreg:s7], $0x2FFFF;
	_ =	strace $0x9FFFFFFF  }
0xc4: {  	(tm) =	ssettm $0x7FFFFFFF  }
0xc5: {  	_ =	shalt  }
tec
execute0_lowered:
.L_overlay_start_1:
0x0: {  	(tag) =	ssettag $0x1  }
0x1: {  	s1 =	rddreg [dreg:$0x0]  }
0x2: {  	s0 =	rddreg [dreg:$0x1]  }
0x3: {  	s2 =	rddreg [dreg:$0x2]  }
0x4: {  	s3 =	rddreg [dreg:$0x3];
	s5 =	simm.s32 $0x0;
	s4 =	srdreg.scid  }
0x5: {  	s18 =	stileid.u32;
	s28 =	simm.s32 $0x1;
	s29 =	simm.s32 $0x16480  }
0x6: {  	s30 =	simm.s32 $0x16580;
	s31 =	simm.s32 $0x1EE00;
	[smem:$0x7FF] =	sst s5  }
0x7: {  	s4 =	sand.u32 $0x1, s4;
	s6 =	sadd.s32 $0x2400, s0;
	s8 =	sshll.u32 s18, $0x4  }
0x8: {  	s9 =	sadd.s32 $0x4E4400, s0;
	s11 =	sshll.u32 s18, $0xE;
	s13 =	sshll.u32 s18, $0xB  }
0x9: {  	s21 =	ssub.s32 $0x5E, s18;
	s23 =	sshll.u32 s18, $0x7;
	s7 =	smul.u32 $0x13C000, s4  }
0xa: {  	_ =	strace $0x80000047;
	s10 =	sadd.s32 s8, s0;
	s14 =	smul.u32 $0x27800, s4  }
0xb: {  	s12 =	sshll.u32 s4, $0x4;
	s15 =	ssub.s32 $0x2, s4;
	s25 =	smul.u32 $0x4E0, s4  }
0xc: {  	s8 =	sadd.s32 s8, s6;
	s4 =	smul.u32 $0x4E00, s4;
	s12 =	sor.u32 s18, s12  }
0xd: {  	s7 =	sadd.s32 s11, s7;
	s11 =	sadd.s32 s13, s14;
	s14 =	smul.u32 $0x2700, s12  }
0xe: {  	s19 =	sshrl.u32 s15, $0x1;
	s26 =	sadd.s32 $0x13840, s8;
	s22 =	smul.u32 $0x4E00, s12  }
0xf: {  	s13 =	sor.u32 $0x4E000, s23;
	[dreg:$0x9] =	wrdreg s26;
	s4 =	sadd.s32 s4, s6  }
0x10: {  	p0 =	sgt.u32 s12, $0x3;
	s7 =	sshrl.u32 s7, $0x3;
	s17 =	sshrl.u32 s11, $0x3  }
0x11: {  	s11 =	ssub.s32 s15, s19;
	s19 =	sshrl.u32 s21, $0x4;
	s15 =	sshrl.u32 s13, $0x3  }
0x12: {  	s13 =	sshll.u32 s13, $0x1;
	s16 =	sadd.s32 s7, s0;
	s0 =	sadd.s32 s17, s0  }
0x13: {  	s20 =	sshrl.u32 s14, $0x3;
	s24 =	sadd.s32 s9, s22;
	[dreg:$0x6] =	wrdreg s19  }
0x14: {  	s17 =	smul.u32 $0x4E, s18;
	s8 =	sadd.s32 s6, s15;
	[dreg:$0x8] =	wrdreg s24  }
0x15: {  	s15 =	sadd.s32 s9, s13;
	s21 =	smax.u32 s11, $0x1;
	[dreg:$0xa] =	wrdreg s8  }
0x16: {  	s22 =	smul.u32 $0x4E0, s18;
	s14 =	sadd.s32 $0x15E00, s10;
	[dreg:$0xb] =	wrdreg s15  }
0x17: {  	s10 =	simm.s32 $0x4;
	s7 =	sadd.s32 s6, s20;
	[dreg:$0xc] =	wrdreg s21  }
0x18: {  	s0 =	sadd.s32 $0x16400, s0;
	s26 =	sadd.s32 $0x20200, s16;
	s21 =	simm.s32 $0x7  }
0x19: {  	s6 =	simm.s32 $0x0;
	[dreg:$0x5] =	wrdreg s7;
	s7 =	sadd.s32 $0x9C40, s7  }
0x1a: {  	s20 =	sadd.s32 s17, s25;
	s15 =	sadd.s32 s22, s4;
	[dreg:$0xf] =	wrdreg s0  }
0x1b: {  	[dreg:$0x10] =	wrdreg s26;
	s22 =	simm.s32 $0x80;
	s26 =	simm.s32 $0x16500  }
0x1c: {  	s0 =	simm.s32 $0x3;
	s4 =	simm.s32 $0x2;
	s8 =	sshll.u32 s20, $0x8  }
0x1d: {  	[dreg:$0x7] =	wrdreg s7;
	s20 =	simm.s32 $0x16380;
	s23 =	sadd.s32 s8, s9  }
0x1e: {  	s8 =	simm.s32 $0x1A600;
	s9 =	simm.s32 $0x5;
	s24 =	sadd.s32 $0x200, s23  }
0x1f: {  	s25 =	sadd.s32 $0x100, s23;
	s23 =	simm.s32 $0x16600;
	[dreg:$0xd] =	wrdreg s24  }
0x20: {  	v0 =	vimm.f32 $0.0e+00;
	[dreg:$0xe] =	wrdreg s25;
	s24 =	simm.s32 $0x1E600;
	s25 =	simm.s32 $0x16400  }
.LBB2_1:
0x21: {  	s12 =	simm.s32 $0x16640  }
0x22: {  	[tilespmem:s12+$0xFFFFFFD0] =	vst v0  }
0x23: {  	[tilespmem:s12+$0xFFFFFFE0] =	vst v0  }
0x24: {  	[tilespmem:s12+$0xFFFFFFF0] =	vst v0  }
0x25: {  	[tilespmem:s12+$0x0] =	vst v0  }
0x26: {  	[tilespmem:s12+$0x10] =	vst v0  }
0x27: {  	[tilespmem:s12+$0x20] =	vst v0  }
0x28: {  	[tilespmem:s12+$0x30] =	vst v0  }
0x29: {  	s16 =	simm.s32 $0x0;
	s13 =	simm.s32 $0x40;
	[tilespmem:s12+$0xFFFFFFC0] =	vst v0  }
.LBB2_2:
0x2a: {  	p1 =	sne.s32 s13, $0x1FC0;
	[tilespmem:s16+$0x1E600] =	vst v0;
	s12 =	sadd.s32 $0x80, s12  }
0x2b: {  	[tilespmem:s12+$0xFFFFFFD0] =	vst v0  }
0x2c: {  	[tilespmem:s12+$0xFFFFFFE0] =	vst v0  }
0x2d: {  	[tilespmem:s12+$0xFFFFFFF0] =	vst v0  }
.Ltmp0:
0x2e: {  	[tilespmem:s12+$0x0] =	vst v0;
	(pc) =	sbr.rel @p1 .LBB2_2-.Ltmp0, $4  }
0x2f: {  	[tilespmem:s12+$0x10] =	vst v0  }
0x30: {  	[tilespmem:s12+$0x20] =	vst v0  }
0x31: {  	[tilespmem:s12+$0x30] =	vst v0  }
0x32: {  	s16 =	sshra.s32 s13, $0x2;
	s13 =	sadd.s32 $0x40, s13;
	[tilespmem:s12+$0xFFFFFFC0] =	vst v0  }
0x33: {  	[tilespmem:s16+$0x1E600] =	vst v0  }
0x34: {  	[tilespmem:s20], [sflag:$0x7] =	stream.linear.gather [hbm4b:s14+s5], $0x80, $0x38;
	[tilespmem:$0x1F600] =	vst v63  }
0x35: {  	_ =	swait.ge [sflag:s21], $0x80  }
0x36: {  	[sflag:s21] =	ssyncset.done $0x0  }
0x37: {  	[sflag:s21] =	ssyncadd.s32 $0xFFFFFF80  }
0x38: {  	[spmem:s2] =	stream.indirect.scatter [tilespmem:s23], [sflag:$0x7], $0x80, s20, s22, $0xb8;
	[tilespmem:$0x1F600] =	vst v63  }
0x39: {  	p1 =	sne.s32 s19, $0x1;
	_ =	swait.ge [sflag:s21], $0x4000  }
.Ltmp1:
0x3a: {  	[sflag:s21] =	ssyncset.done $0x0;
	(pc) =	sbr.rel @!p1 .LBB2_5-.Ltmp1, $4  }
0x3b: {  	[sflag:s21] =	ssyncadd.s32 $0xFFFFC000  }
0x3c: {  	[spmem:s3] =	stream.indirect.scatter [tilespmem:s24], [sflag:$0x7], $0x10, s20, s22, $0xb8;
	[tilespmem:$0x1F600] =	vst v63  }
0x3d: {  	_ =	swait.ge [sflag:s21], $0x800  }
0x3e: {  	s12 =	sadd.s32 $0xFFFFFFFF, s19;
	s13 =	smov.u32 s14;
	[sflag:s21] =	ssyncset.done $0x0  }
.LBB2_4:
0x3f: {  	p2 =	sne.s32 s12, $0x1;
	[sflag:s21] =	ssyncadd.s32 $0xFFFFF800;
	s13 =	sadd.s32 $0x100, s13  }
0x40: {  	[tilespmem:s20], [sflag:$0x7] =	stream.linear.gather [hbm4b:s13+s5], $0x80, $0x38;
	[tilespmem:$0x1F600] =	vst v63  }
0x41: {  	s12 =	sadd.s32 $0xFFFFFFFF, s12;
	_ =	swait.ge [sflag:s21], $0x80  }
0x42: {  	[sflag:s21] =	ssyncset.done $0x0  }
0x43: {  	[sflag:s21] =	ssyncadd.s32 $0xFFFFFF80  }
0x44: {  	[spmem:s2] =	stream.indirect.scatter [tilespmem:s23], [sflag:$0x7], $0x80, s20, s22, $0xb8;
	[tilespmem:$0x1F600] =	vst v63  }
0x45: {  	_ =	swait.ge [sflag:s21], $0x4000  }
.Ltmp2:
0x46: {  	[sflag:s21] =	ssyncset.done $0x0;
	(pc) =	sbr.rel @p2 .LBB2_4-.Ltmp2, $4  }
0x47: {  	[sflag:s21] =	ssyncadd.s32 $0xFFFFC000  }
0x48: {  	[spmem:s3] =	stream.indirect.scatter [tilespmem:s24], [sflag:$0x7], $0x10, s20, s22, $0xb8;
	[tilespmem:$0x1F600] =	vst v63  }
0x49: {  	_ =	swait.ge [sflag:s21], $0x800  }
0x4a: {  	[sflag:s21] =	ssyncset.done $0x0  }
.LBB2_5:
0x4b: {  	[sflag:s21] =	ssyncadd.s32 $0xFFFFF800  }
0x4c: {  	[bflag:$0x0] =	sbarrier.arrive $0xFFFF  }
0x4d: {  	s12 =	simm.s32 $0x0;
	s7 =	rddreg [dreg:$0x7]  }
0x4e: {  	[tilespmem:s25], [sflag:$0x1] =	stream.linear.gather [hbm4b:s7+s12], $0x80, $0x38;
	[tilespmem:$0x1F600] =	vst v63  }
0x4f: {  	s16 =	rddreg [dreg:$0x5]  }
0x50: {  	[tilespmem:s26], [sflag:$0x1] =	stream.linear.gather [hbm4b:s16+s12], $0x80, $0x38;
	[tilespmem:$0x1F600] =	vst v63  }
0x51: {  	s17 =	rddreg [dreg:$0x8]  }
0x52: {  	[tilespmem:s24], [sflag:$0x1] =	stream.linear.gather [hbm4b:s17+s12], $0x800, $0x38;
	[tilespmem:$0x1F600] =	vst v63  }
0x53: {  	_ =	swait.ge [sflag:s28], $0x80  }
0x54: {  	[sflag:s28] =	ssyncset.done $0x0  }
0x55: {  	[sflag:s28] =	ssyncadd.s32 $0xFFFFFF80  }
0x56: {  	_ =	swait.ge [sflag:s28], $0x80  }
0x57: {  	[sflag:s28] =	ssyncset.done $0x0  }
0x58: {  	[sflag:s28] =	ssyncadd.s32 $0xFFFFFF80  }
0x59: {  	_ =	swait.ge [sflag:s28], $0x800  }
0x5a: {  	p2 =	por $0x1, $0x1;
	[sflag:s28] =	ssyncset.done $0x0  }
0x5b: {  	s12 =	simm.s32 @!p2 $0x6;
	[sflag:s28] =	ssyncadd.s32 $0xFFFFF800  }
0x5c: {  	[tilespmem:s23], [sflag:$0x3] =	stream.indirect.gather [hbm4b:s1+s22], $0x80, s25, s22, $0xb8;
	[tilespmem:$0x1F600] =	vst v63  }
0x5d: {  	_ =	swait.ge @!p2 [sflag:s12], $0x4000  }
0x5e: {  	[sflag:s12] =	ssyncset.done @!p2 $0x0  }
0x5f: {  	[sflag:s12] =	ssyncadd.s32 @!p2 $0xFFFFC000  }
0x60: {  	_ =	swait.ge @!p2 [sflag:s12], $0x800  }
0x61: {  	s13 =	sadd.s32 $0x0, s15;
	[sflag:s12] =	ssyncset.done @!p2 $0x0  }
0x62: {  	s16 =	sadd.s32 $0x9C50, s13;
	[sflag:s12] =	ssyncadd.s32 @!p2 $0xFFFFF800  }
0x63: {  	[tilespmem:s29], [sflag:$0x2] =	stream.linear.gather [hbm4b:s16+s5], $0x80, $0x38;
	[tilespmem:$0x1F600] =	vst v63  }
0x64: {  	s18 =	sadd.s32 $0x10, s13  }
0x65: {  	[tilespmem:s30], [sflag:$0x2] =	stream.linear.gather [hbm4b:s18+s5], $0x80, $0x38;
	[tilespmem:$0x1F600] =	vst v63  }
0x66: {  	s19 =	rddreg [dreg:$0xe]  }
0x67: {  	[tilespmem:s31], [sflag:$0x2] =	stream.linear.gather [hbm4b:s19+s5], $0x800, $0x38;
	[tilespmem:$0x1F600] =	vst v63  }
0x68: {  	_ =	swait.ge [sflag:s0], $0x4000  }
0x69: {  	[sflag:s0] =	ssyncset.done $0x0  }
0x6a: {  	[sflag:s0] =	ssyncadd.s32 $0xFFFFC000  }
0x6b: {  	[spmem:s2] =	stream.indirect.scatter.add.f32 [tilespmem:s23], [sflag:$0x5], $0x80, s26, s22, $0xb8;
	[tilespmem:$0x1F600] =	vst v63  }
0x6c: {  	_ = 	snop  }
0x6d: {  	[spmem:s3] =	stream.indirect.scatter.add.f32 [tilespmem:s24], [sflag:$0x5], $0x10, s26, s22, $0xb8;
	[tilespmem:$0x1F600] =	vst v63  }
0x6e: {  	_ =	swait.ge [sflag:s4], $0x80  }
0x6f: {  	[sflag:s4] =	ssyncset.done $0x0  }
0x70: {  	[sflag:s4] =	ssyncadd.s32 $0xFFFFFF80  }
0x71: {  	_ =	swait.ge [sflag:s4], $0x80  }
0x72: {  	[sflag:s4] =	ssyncset.done $0x0  }
0x73: {  	[sflag:s4] =	ssyncadd.s32 $0xFFFFFF80  }
0x74: {  	_ =	swait.ge [sflag:s4], $0x800  }
0x75: {  	[sflag:s4] =	ssyncset.done $0x0  }
0x76: {  	[sflag:s4] =	ssyncadd.s32 $0xFFFFF800  }
0x77: {  	[tilespmem:s8], [sflag:$0x4] =	stream.indirect.gather [hbm4b:s1+s22], $0x80, s29, s22, $0xb8;
	[tilespmem:$0x1F600] =	vst v63  }
0x78: {  	_ =	swait.ge [sflag:s9], $0x4000  }
0x79: {  	[sflag:s9] =	ssyncset.done $0x0  }
0x7a: {  	[sflag:s9] =	ssyncadd.s32 $0xFFFFC000  }
0x7b: {  	p2 =	por $0x0, $0x0;
	_ =	swait.ge [sflag:s9], $0x800  }
0x7c: {  	s12 =	sadd.s32 @!p2 $0x0, s15;
	s13 =	simm.s32 @!p2 $0x16400;
	[sflag:s9] =	ssyncset.done $0x0  }
0x7d: {  	s17 =	simm.s32 @!p2 $0x0;
	s16 =	sadd.s32 @!p2 $0x9C60, s12;
	[sflag:s9] =	ssyncadd.s32 $0xFFFFF800  }
0x7e: {  	[tilespmem:s13], [sflag:$0x1] =	stream.linear.gather @!p2 [hbm4b:s16+s17], $0x80, $0x38;
	[tilespmem:$0x1F600] =	vst v63  }
0x7f: {  	s12 =	sadd.s32 @!p2 $0x20, s12;
	s13 =	simm.s32 @!p2 $0x16500  }
0x80: {  	[tilespmem:s13], [sflag:$0x1] =	stream.linear.gather @!p2 [hbm4b:s12+s17], $0x80, $0x38;
	[tilespmem:$0x1F600] =	vst v63  }
0x81: {  	s16 =	rddreg [dreg:$0xd];
	s12 =	simm.s32 @!p2 $0x1E600  }
0x82: {  	[tilespmem:s12], [sflag:$0x1] =	stream.linear.gather @!p2 [hbm4b:s16+s17], $0x800, $0x38;
	[tilespmem:$0x1F600] =	vst v63  }
0x83: {  	_ =	swait.ge [sflag:s10], $0x4000  }
0x84: {  	[sflag:s10] =	ssyncset.done $0x0  }
0x85: {  	s12 =	simm.s32 $0x20;
	s17 =	smov.u32 s19;
	[sflag:s10] =	ssyncadd.s32 $0xFFFFC000  }
0x86: {  	[spmem:s2] =	stream.indirect.scatter.add.f32 [tilespmem:s8], [sflag:$0x6], $0x80, s30, s22, $0xb8;
	[tilespmem:$0x1F600] =	vst v63  }
.LBB2_6:
0x87: {  	s16 =	sadd.s32 $0x200, s16  }
0x88: {  	s17 =	sadd.s32 $0x200, s17;
	s13 =	smov.u32 s12;
	s12 =	sadd.s32 $0x20, s12  }
0x89: {  	[spmem:s3] =	stream.indirect.scatter.add.f32 [tilespmem:s31], [sflag:$0x6], $0x10, s30, s22, $0xb8;
	[tilespmem:$0x1F600] =	vst v63  }
0x8a: {  	p2 =	sne.s32 s12, $0x4E0;
	_ =	swait.ge [sflag:s28], $0x80  }
0x8b: {  	[sflag:s28] =	ssyncset.done $0x0  }
0x8c: {  	[sflag:s28] =	ssyncadd.s32 $0xFFFFFF80  }
0x8d: {  	_ =	swait.ge [sflag:s28], $0x80  }
0x8e: {  	[sflag:s28] =	ssyncset.done $0x0  }
0x8f: {  	[sflag:s28] =	ssyncadd.s32 $0xFFFFFF80  }
0x90: {  	_ =	swait.ge [sflag:s28], $0x800  }
0x91: {  	[sflag:s28] =	ssyncset.done $0x0  }
0x92: {  	p3 =	seq.s32 s13, $0x0;
	[sflag:s28] =	ssyncadd.s32 $0xFFFFF800  }
0x93: {  	[tilespmem:s23], [sflag:$0x3] =	stream.indirect.gather [hbm4b:s1+s22], $0x80, s25, s22, $0xb8;
	[tilespmem:$0x1F600] =	vst v63  }
0x94: {  	s18 =	simm.s32 @!p3 $0x6  }
0x95: {  	_ =	swait.ge @!p3 [sflag:s18], $0x4000  }
0x96: {  	[sflag:s18] =	ssyncset.done @!p3 $0x0  }
0x97: {  	[sflag:s18] =	ssyncadd.s32 @!p3 $0xFFFFC000  }
0x98: {  	s19 =	sadd.s32 s13, s15;
	_ =	swait.ge @!p3 [sflag:s18], $0x800  }
0x99: {  	s7 =	sadd.s32 $0x9C50, s19;
	[sflag:s18] =	ssyncset.done @!p3 $0x0  }
0x9a: {  	[sflag:s18] =	ssyncadd.s32 @!p3 $0xFFFFF800;
	s18 =	sadd.s32 $0x10, s19  }
0x9b: {  	[tilespmem:s29], [sflag:$0x2] =	stream.linear.gather [hbm4b:s7+s5], $0x80, $0x38;
	[tilespmem:$0x1F600] =	vst v63  }
0x9c: {  	_ = 	snop  }
0x9d: {  	[tilespmem:s30], [sflag:$0x2] =	stream.linear.gather [hbm4b:s18+s5], $0x80, $0x38;
	[tilespmem:$0x1F600] =	vst v63  }
0x9e: {  	_ = 	snop  }
0x9f: {  	[tilespmem:s31], [sflag:$0x2] =	stream.linear.gather [hbm4b:s17+s5], $0x800, $0x38;
	[tilespmem:$0x1F600] =	vst v63  }
0xa0: {  	_ =	swait.ge [sflag:s0], $0x4000  }
0xa1: {  	[sflag:s0] =	ssyncset.done $0x0  }
0xa2: {  	[sflag:s0] =	ssyncadd.s32 $0xFFFFC000  }
0xa3: {  	[spmem:s2] =	stream.indirect.scatter.add.f32 [tilespmem:s23], [sflag:$0x5], $0x80, s26, s22, $0xb8;
	[tilespmem:$0x1F600] =	vst v63  }
0xa4: {  	_ = 	snop  }
0xa5: {  	[spmem:s3] =	stream.indirect.scatter.add.f32 [tilespmem:s24], [sflag:$0x5], $0x10, s26, s22, $0xb8;
	[tilespmem:$0x1F600] =	vst v63  }
0xa6: {  	_ =	swait.ge [sflag:s4], $0x80  }
0xa7: {  	[sflag:s4] =	ssyncset.done $0x0  }
0xa8: {  	[sflag:s4] =	ssyncadd.s32 $0xFFFFFF80  }
0xa9: {  	_ =	swait.ge [sflag:s4], $0x80  }
0xaa: {  	[sflag:s4] =	ssyncset.done $0x0  }
0xab: {  	[sflag:s4] =	ssyncadd.s32 $0xFFFFFF80  }
0xac: {  	_ =	swait.ge [sflag:s4], $0x800  }
0xad: {  	[sflag:s4] =	ssyncset.done $0x0  }
0xae: {  	[sflag:s4] =	ssyncadd.s32 $0xFFFFF800  }
0xaf: {  	[tilespmem:s8], [sflag:$0x4] =	stream.indirect.gather [hbm4b:s1+s22], $0x80, s29, s22, $0xb8;
	[tilespmem:$0x1F600] =	vst v63  }
0xb0: {  	_ =	swait.ge [sflag:s9], $0x4000  }
0xb1: {  	[sflag:s9] =	ssyncset.done $0x0  }
0xb2: {  	p3 =	seq.s32 s13, $0x4C0;
	[sflag:s9] =	ssyncadd.s32 $0xFFFFC000  }
0xb3: {  	s7 =	sadd.s32 @!p3 s13, s15;
	s13 =	simm.s32 @!p3 $0x16400;
	_ =	swait.ge [sflag:s9], $0x800  }
0xb4: {  	s19 =	simm.s32 @!p3 $0x0;
	s18 =	sadd.s32 @!p3 $0x9C60, s7;
	[sflag:s9] =	ssyncset.done $0x0  }
0xb5: {  	s11 =	simm.s32 @!p3 $0x16500;
	s7 =	sadd.s32 @!p3 $0x20, s7;
	[sflag:s9] =	ssyncadd.s32 $0xFFFFF800  }
0xb6: {  	[tilespmem:s13], [sflag:$0x1] =	stream.linear.gather @!p3 [hbm4b:s18+s19], $0x80, $0x38;
	[tilespmem:$0x1F600] =	vst v63  }
0xb7: {  	s13 =	simm.s32 @!p3 $0x1E600  }
0xb8: {  	[tilespmem:s11], [sflag:$0x1] =	stream.linear.gather @!p3 [hbm4b:s7+s19], $0x80, $0x38;
	[tilespmem:$0x1F600] =	vst v63  }
0xb9: {  	_ = 	snop  }
0xba: {  	[tilespmem:s13], [sflag:$0x1] =	stream.linear.gather @!p3 [hbm4b:s16+s19], $0x800, $0x38;
	[tilespmem:$0x1F600] =	vst v63  }
.Ltmp3:
0xbb: {  	_ = 	snop;
	(pc) =	sbr.rel @p2 .LBB2_6-.Ltmp3, $4  }
0xbc: {  	_ =	swait.ge [sflag:s10], $0x4000  }
0xbd: {  	[sflag:s10] =	ssyncset.done $0x0  }
0xbe: {  	[sflag:s10] =	ssyncadd.s32 $0xFFFFC000  }
0xbf: {  	[spmem:s2] =	stream.indirect.scatter.add.f32 [tilespmem:s8], [sflag:$0x6], $0x80, s30, s22, $0xb8;
	[tilespmem:$0x1F600] =	vst v63  }
0xc0: {  	[spmem:s3] =	stream.indirect.scatter.add.f32 [tilespmem:s31], [sflag:$0x6], $0x10, s30, s22, $0xb8;
	[tilespmem:$0x1F600] =	vst v63  }
0xc1: {  	s7 =	simm.s32 $0x6  }
0xc2: {  	_ =	swait.ge [sflag:s7], $0x4000  }
0xc3: {  	[sflag:s7] =	ssyncset.done $0x0  }
0xc4: {  	[sflag:s7] =	ssyncadd.s32 $0xFFFFC000  }
0xc5: {  	_ =	swait.ge [sflag:s7], $0x800  }
0xc6: {  	s11 =	simm.s32 @!p0 $0x16400;
	[sflag:s7] =	ssyncset.done $0x0  }
0xc7: {  	s12 =	rddreg [dreg:$0x9];
	[sflag:s7] =	ssyncadd.s32 $0xFFFFF800;
	s7 =	simm.s32 @!p0 $0x0  }
0xc8: {  	[tilespmem:s11], [sflag:$0x7] =	stream.linear.gather @!p0 [hbm4b:s12+s7], $0x80, $0x38;
	[tilespmem:$0x1F600] =	vst v63  }
0xc9: {  	s12 =	simm.s32 @!p0 $0x7  }
0xca: {  	_ =	swait.ge @!p0 [sflag:s12], $0x80  }
0xcb: {  	[sflag:s12] =	ssyncset.done @!p0 $0x0  }
0xcc: {  	s13 =	simm.s32 @!p0 $0x16500;
	s16 =	rddreg [dreg:$0xa];
	[sflag:s12] =	ssyncadd.s32 @!p0 $0xFFFFFF80  }
0xcd: {  	[tilespmem:s13], [sflag:$0x7] =	stream.linear.gather @!p0 [hbm4b:s16+s7], $0x80, $0x38;
	[tilespmem:$0x1F600] =	vst v63  }
0xce: {  	_ =	swait.ge @!p0 [sflag:s12], $0x80  }
0xcf: {  	[sflag:s12] =	ssyncset.done @!p0 $0x0  }
0xd0: {  	s16 =	simm.s32 @!p0 $0x1E600;
	s17 =	rddreg [dreg:$0xb];
	[sflag:s12] =	ssyncadd.s32 @!p0 $0xFFFFFF80  }
0xd1: {  	[tilespmem:s16], [sflag:$0x7] =	stream.linear.gather @!p0 [hbm4b:s17+s7], $0x800, $0x38;
	[tilespmem:$0x1F600] =	vst v63  }
0xd2: {  	_ =	swait.ge @!p0 [sflag:s12], $0x800  }
0xd3: {  	[sflag:s12] =	ssyncset.done @!p0 $0x0  }
0xd4: {  	s7 =	simm.s32 @!p0 $0x80;
	s17 =	simm.s32 @!p0 $0x16600;
	[sflag:s12] =	ssyncadd.s32 @!p0 $0xFFFFF800  }
0xd5: {  	[tilespmem:s17], [sflag:$0x7] =	stream.indirect.gather @!p0 [hbm4b:s1+s7], $0x80, s11, s7, $0xb8;
	[tilespmem:$0x1F600] =	vst v63  }
0xd6: {  	_ =	swait.ge @!p0 [sflag:s12], $0x4000  }
0xd7: {  	[sflag:s12] =	ssyncset.done @!p0 $0x0  }
0xd8: {  	[sflag:s12] =	ssyncadd.s32 @!p0 $0xFFFFC000  }
0xd9: {  	[spmem:s2] =	stream.indirect.scatter.add.f32 @!p0 [tilespmem:s17], [sflag:$0x7], $0x80, s13, s7, $0xb8;
	[tilespmem:$0x1F600] =	vst v63  }
0xda: {  	_ =	swait.ge @!p0 [sflag:s12], $0x4000  }
0xdb: {  	[sflag:s12] =	ssyncset.done @!p0 $0x0  }
0xdc: {  	[sflag:s12] =	ssyncadd.s32 @!p0 $0xFFFFC000  }
0xdd: {  	[spmem:s3] =	stream.indirect.scatter.add.f32 @!p0 [tilespmem:s16], [sflag:$0x7], $0x10, s13, s7, $0xb8;
	[tilespmem:$0x1F600] =	vst v63  }
0xde: {  	_ =	swait.ge @!p0 [sflag:s12], $0x800  }
0xdf: {  	[sflag:s12] =	ssyncset.done @!p0 $0x0  }
0xe0: {  	[sflag:s12] =	ssyncadd.s32 @!p0 $0xFFFFF800  }
0xe1: {  	[bflag:$0x0] =	sbarrier.arrive $0xFFFF  }
0xe2: {  	[tilespmem:s20], [sflag:$0x7] =	stream.linear.gather [hbm4b:s14+s5], $0x80, $0x38;
	[tilespmem:$0x1F600] =	vst v63  }
0xe3: {  	_ =	swait.ge [sflag:s21], $0x80  }
0xe4: {  	[sflag:s21] =	ssyncset.done $0x0  }
0xe5: {  	[sflag:s21] =	ssyncadd.s32 $0xFFFFFF80  }
0xe6: {  	[tilespmem:s23], [sflag:$0x7] =	stream.indirect.gather [spmem:s2], $0x80, s20, s22, $0xb8;
	[tilespmem:$0x1F600] =	vst v63  }
0xe7: {  	_ =	swait.ge [sflag:s21], $0x4000  }
0xe8: {  	[sflag:s21] =	ssyncset.done $0x0  }
0xe9: {  	[sflag:s21] =	ssyncadd.s32 $0xFFFFC000  }
0xea: {  	[tilespmem:s24], [sflag:$0x7] =	stream.indirect.gather [spmem:s3], $0x10, s20, s22, $0xb8;
	[tilespmem:$0x1F600] =	vst v63  }
0xeb: {  	_ =	swait.ge [sflag:s21], $0x800  }
0xec: {  	[sflag:s21] =	ssyncset.done $0x0  }
0xed: {  	s17 =	rddreg [dreg:$0x10];
	[sflag:s21] =	ssyncadd.s32 $0xFFFFF800  }
0xee: {  	[hbm4b:s17+s5] =	stream.linear.scatter [tilespmem:s23], [sflag:$0x7], $0x4000, $0x38;
	[tilespmem:$0x1F600] =	vst v63  }
0xef: {  	_ =	swait.ge [sflag:s21], $0x4000  }
0xf0: {  	[sflag:s21] =	ssyncset.done $0x0  }
.Ltmp4:
0xf1: {  	s16 =	rddreg [dreg:$0xf];
	[sflag:s21] =	ssyncadd.s32 $0xFFFFC000;
	(pc) =	sbr.rel @!p1 .LBB2_9-.Ltmp4, $4  }
0xf2: {  	[hbm4b:s16+s5] =	stream.linear.scatter [tilespmem:s24], [sflag:$0x7], $0x800, $0x38;
	[tilespmem:$0x1F600] =	vst v63  }
0xf3: {  	_ =	swait.ge [sflag:s21], $0x800  }
0xf4: {  	s19 =	rddreg [dreg:$0x6]  }
0xf5: {  	s13 =	sadd.s32 $0x100, s14;
	[sflag:s21] =	ssyncset.done $0x0;
	s12 =	sadd.s32 $0xFFFFFFFF, s19  }
.LBB2_8:
0xf6: {  	[sflag:s21] =	ssyncadd.s32 $0xFFFFF800;
	s16 =	sadd.s32 $0x1000, s16;
	s17 =	sadd.s32 $0x8000, s17  }
0xf7: {  	[tilespmem:s20], [sflag:$0x7] =	stream.linear.gather [hbm4b:s13+s5], $0x80, $0x38;
	[tilespmem:$0x1F600] =	vst v63  }
0xf8: {  	p1 =	sne.s32 s12, $0x1;
	s12 =	sadd.s32 $0xFFFFFFFF, s12;
	_ =	swait.ge [sflag:s21], $0x80  }
0xf9: {  	[sflag:s21] =	ssyncset.done $0x0  }
0xfa: {  	[sflag:s21] =	ssyncadd.s32 $0xFFFFFF80  }
0xfb: {  	[tilespmem:s23], [sflag:$0x7] =	stream.indirect.gather [spmem:s2], $0x80, s20, s22, $0xb8;
	[tilespmem:$0x1F600] =	vst v63  }
0xfc: {  	_ =	swait.ge [sflag:s21], $0x4000  }
0xfd: {  	[sflag:s21] =	ssyncset.done $0x0  }
0xfe: {  	[sflag:s21] =	ssyncadd.s32 $0xFFFFC000  }
0xff: {  	[tilespmem:s24], [sflag:$0x7] =	stream.indirect.gather [spmem:s3], $0x10, s20, s22, $0xb8;
	[tilespmem:$0x1F600] =	vst v63  }
0x100: {  	_ =	swait.ge [sflag:s21], $0x800  }
0x101: {  	[sflag:s21] =	ssyncset.done $0x0  }
0x102: {  	[sflag:s21] =	ssyncadd.s32 $0xFFFFF800  }
0x103: {  	[hbm4b:s17+s5] =	stream.linear.scatter [tilespmem:s23], [sflag:$0x7], $0x4000, $0x38;
	[tilespmem:$0x1F600] =	vst v63  }
0x104: {  	_ =	swait.ge [sflag:s21], $0x4000  }
.Ltmp5:
0x105: {  	[sflag:s21] =	ssyncset.done $0x0;
	(pc) =	sbr.rel @p1 .LBB2_8-.Ltmp5, $4  }
0x106: {  	[sflag:s21] =	ssyncadd.s32 $0xFFFFC000  }
0x107: {  	[hbm4b:s16+s5] =	stream.linear.scatter [tilespmem:s24], [sflag:$0x7], $0x800, $0x38;
	[tilespmem:$0x1F600] =	vst v63  }
0x108: {  	_ =	swait.ge [sflag:s21], $0x800  }
0x109: {  	s13 =	sadd.s32 $0x100, s13;
	[sflag:s21] =	ssyncset.done $0x0  }
.LBB2_9:
0x10a: {  	s6 =	sadd.s32 $0x1, s6;
	s7 =	rddreg [dreg:$0xc]  }
0x10b: {  	p1 =	sne.s32 s6, s7  }
.Ltmp6:
0x10c: {  	_ = 	snop;
	(pc) =	sbr.rel @p1 .LBB2_1-.Ltmp6, $2  }
0x10d: {  	_ =	sdelay $0x2  }
0x10e: {  	[sflag:s21] =	ssyncadd.s32 $0xFFFFF800  }
0x10f: {  	_ =	sfence.sel $0x180000  }
0x110: {  	[bflag:$0x0] =	sbarrier.arrive $0xFFFF  }
0x111: {  	_ =	strace $0x90000047  }
0x112: {  	s0 =	stileid.u32;
	[bflag:$0x2] =	sbarrier.arrive $0xFFFF  }
0x113: {  	p0 =	sne.s32 s0, $0x0;
	s0 =	rddreg [dreg:$0x4]  }
0x114: {  	s0 =	sadd.s32 @!p0 $0x100000, s0  }
0x115: {  	[sflag:s0] =	ssyncadd.tile.s32 @!p0 $0x1;
	_ =	shalt  }
.Lfunc_end2:
_tile_overlayer_lowered:
.L_overlay_start_2:
0x116: {  	(tag) =	ssettag $0x2  }
0x117: {  	s0 =	rddreg [dreg:$0x0];
	s2 =	stileid.u32  }
0x118: {  	s1 =	rddreg [dreg:$0x1];
	p0 =	sne.s32 s2, $0x0  }
0x119: {  	s3 =	rddreg [dreg:$0x2];
	[bflag:$0x3] =	sbarrier.arrive $0xFFFF;
	s2 =	simm.s32 @!p0 $0x1C07  }
0x11a: {  	[timem:s3], [sflag:s2] =	dma.local @!p0 [hbm:s0], s1  }
0x11b: {  	s0 =	simm.s32 @!p0 $0x7  }
0x11c: {  	_ =	swait.ge @!p0 [sflag:s0], s1  }
0x11d: {  	s1 =	ssub.s32 @!p0 $0x0, s1;
	[sflag:s0] =	ssyncset.done @!p0 $0x0  }
0x11e: {  	[sflag:s0] =	ssyncadd.s32 @!p0 s1  }
0x11f: {  	[bflag:$0x3] =	sbarrier.arrive $0xFFFF  }
0x120: {  	_ =	shalt  }

</sc_bundles>
